<compile_context>
chip_gen: v7x
topology: tpu7x:2x2x1
jax: 0.10.2.dev20260603
libtpu: 0.0.44.dev20260713+nightly
codegen_flags: <defaults>
</compile_context>

<pallas_src>
import functools

import jax
import jax.numpy as jnp
from jax import lax
from jax.experimental import pallas as pl
from jax.experimental.pallas import tpu as pltpu
from jax.experimental.pallas import tpu_sc as plsc

B, N, E, D = 2, 10000, 160000, 128
NC, NS = 2, 16
K = 128
ER = E // K
J = ER // NS
LEFT = ER - J * NS
RA = 624
RLAST = N - (NS - 1) * RA


def _lin_body(x_ref, wt_ref, b_ref, o_ref):
    acc = jax.lax.dot_general(
        x_ref[...], wt_ref[...], (((1,), (0,)), ((), ())),
        precision=jax.lax.Precision.HIGHEST,
        preferred_element_type=jnp.float32)
    o_ref[...] = acc + b_ref[...]


def _linear(x2d, wt, b2d):
    BLK = 2000
    return pl.pallas_call(
        _lin_body,
        grid=(x2d.shape[0] // BLK,),
        in_specs=[
            pl.BlockSpec((BLK, D), lambda i: (i, 0)),
            pl.BlockSpec((D, D), lambda i: (0, 0)),
            pl.BlockSpec((1, D), lambda i: (0, 0)),
        ],
        out_specs=pl.BlockSpec((BLK, D), lambda i: (i, 0)),
        out_shape=jax.ShapeDtypeStruct((x2d.shape[0], D), jnp.float32),
    )(x2d, wt, b2d)


def _sc_body(xt_hbm, comb_hbm, z128_hbm, z1_hbm, ones_hbm,
             agg_hbm, deg_hbm,
             acc_sh, deg_sh, idx_v, rows_v, ones_v, sem0, sem1):
    c = lax.axis_index("c")
    s = lax.axis_index("s")
    sems = (sem0, sem1)

    @pl.when(s < NS - 1)
    def _():
        pltpu.sync_copy(z128_hbm.at[pl.ds(0, RA)], acc_sh.at[pl.ds(s * RA, RA)])

        @pl.when(c == 0)
        def _():
            pltpu.sync_copy(z1_hbm.at[pl.ds(0, RA)], deg_sh.at[pl.ds(s * RA, RA)])

    @pl.when(s == NS - 1)
    def _():
        pltpu.sync_copy(z128_hbm, acc_sh.at[pl.ds((NS - 1) * RA, RLAST)])

        @pl.when(c == 0)
        def _():
            pltpu.sync_copy(z1_hbm, deg_sh.at[pl.ds((NS - 1) * RA, RLAST)])

    pltpu.sync_copy(ones_hbm, ones_v)
    plsc.subcore_barrier()


    def load_idx(row, t):
        pltpu.sync_copy(comb_hbm.at[pl.ds((c * ER + row) * 2, 2)],
                        idx_v.at[pl.ds(2 * t, 2)])

    def fire_gather(t):
        return pltpu.async_copy(xt_hbm.at[idx_v.at[2 * t]],
                                rows_v.at[pl.ds(t * K, K)], sems[t])

    def drain_gather(t):
        pltpu.make_async_copy(xt_hbm.at[pl.ds(0, K)],
                              rows_v.at[pl.ds(t * K, K)], sems[t]).wait()

    def scatter(t):
        pltpu.sync_copy(rows_v.at[pl.ds(t * K, K)],
                        acc_sh.at[idx_v.at[2 * t + 1]], add=True)

        @pl.when(c == 0)
        def _():
            pltpu.sync_copy(ones_v, deg_sh.at[idx_v.at[2 * t]], add=True)

    load_idx(s, 0)
    fire_gather(0)

    def pair(i, carry):
        for t in (0, 1):
            j = 2 * i + t
            nxt = 1 - t

            @pl.when(j + 1 < J)
            def _():
                load_idx(s + (j + 1) * NS, nxt)
                fire_gather(nxt)

            drain_gather(t)
            scatter(t)
        return carry

    lax.fori_loop(0, (J + 1) // 2, pair, 0)

    @pl.when(s < LEFT)
    def _():
        load_idx(J * NS + s, 0)
        fire_gather(0)
        drain_gather(0)
        scatter(0)

    plsc.subcore_barrier()

    @pl.when(s < NS - 1)
    def _():
        rb = s * RA
        pltpu.sync_copy(acc_sh.at[pl.ds(rb, RA)],
                        agg_hbm.at[pl.ds(c * N + rb, RA)])

        @pl.when(c == 0)
        def _():
            pltpu.sync_copy(deg_sh.at[pl.ds(rb, RA)], deg_hbm.at[pl.ds(rb, RA)])

    @pl.when(s == NS - 1)
    def _():
        rb = (NS - 1) * RA
        pltpu.sync_copy(acc_sh.at[pl.ds(rb, RLAST)],
                        agg_hbm.at[pl.ds(c * N + rb, RLAST)])

        @pl.when(c == 0)
        def _():
            pltpu.sync_copy(deg_sh.at[pl.ds(rb, RLAST)],
                            deg_hbm.at[pl.ds(rb, RLAST)])


def _scatter(xt_flat, comb, z128, z1, ones):
    mesh = plsc.VectorSubcoreMesh(core_axis_name="c", subcore_axis_name="s")
    f = pl.kernel(
        _sc_body,
        out_type=(
            jax.ShapeDtypeStruct((B * N, D), jnp.float32),
            jax.ShapeDtypeStruct((N, 8), jnp.float32),
        ),
        mesh=mesh,
        scratch_types=[
            pltpu.VMEM_SHARED((N, D), jnp.float32),
            pltpu.VMEM_SHARED((N, 8), jnp.float32),
            pltpu.VMEM((4, K), jnp.int32),
            pltpu.VMEM((2 * K, D), jnp.float32),
            pltpu.VMEM((K, 8), jnp.float32),
            pltpu.SemaphoreType.DMA,
            pltpu.SemaphoreType.DMA,
        ],
        compiler_params=pltpu.CompilerParams(use_tc_tiling_on_sc=False),
    )
    return f(xt_flat, comb, z128, z1, ones)


def _epi_body(xt_ref, agg_ref, deg_ref, gs_ref, bt_ref, o_ref):
    d = jnp.maximum(deg_ref[..., 0:1], 1.0)
    v = agg_ref[0] / d + xt_ref[0]
    o_ref[0] = jnp.maximum(v * gs_ref[...] + bt_ref[...], 0.0)


def _epilogue(xt3, agg3, deg2, gs2, bt2):
    BLK = 2000
    return pl.pallas_call(
        _epi_body,
        grid=(B, N // BLK),
        in_specs=[
            pl.BlockSpec((1, BLK, D), lambda b, i: (b, i, 0)),
            pl.BlockSpec((1, BLK, D), lambda b, i: (b, i, 0)),
            pl.BlockSpec((BLK, 8), lambda b, i: (i, 0)),
            pl.BlockSpec((1, D), lambda b, i: (0, 0)),
            pl.BlockSpec((1, D), lambda b, i: (0, 0)),
        ],
        out_specs=pl.BlockSpec((1, BLK, D), lambda b, i: (b, i, 0)),
        out_shape=jax.ShapeDtypeStruct((B, N, D), jnp.float32),
    )(xt3, agg3, deg2, gs2, bt2)


@jax.jit
def kernel(x, edge_index, W, b, gamma, beta):
    x2d = x.reshape(B * N, D)
    xt_flat = _linear(x2d, W.T, b[None, :])

    src2d = edge_index[0].reshape(ER, K)
    dst2d = edge_index[1].reshape(ER, K)
    comb = jnp.concatenate(
        [jnp.stack([src2d + c * N, dst2d], axis=1).reshape(2 * ER, K)
         for c in range(B)])
    z128 = jnp.zeros((RLAST, D), jnp.float32)
    z1 = jnp.zeros((RLAST, 8), jnp.float32)
    ones = jnp.ones((K, 8), jnp.float32)

    agg_flat, deg = _scatter(xt_flat, comb, z128, z1, ones)

    eps = 1e-5
    gs = gamma / jnp.sqrt(1.0 + eps)
    out = _epilogue(xt_flat.reshape(B, N, D), agg_flat.reshape(B, N, D),
                    deg, gs[None, :], beta[None, :])
    return out

# --- scband reference (transcript-rebuilt; emitter-appended) ---
"""Pipeline reference for scband-graph-conv-layer-47777216201170 (READ-ONLY COPY).

The authoritative reference and input builder live on the scoring server;
editing this copy changes nothing except your own understanding.
"""

import jax, jax.numpy as jnp
import numpy as np

B, N, E, DIN, DOUT = 2, 10000, 160000, 128, 128

def setup_inputs(seed: int = 0) -> dict:
    key = jax.random.key(seed)
    k1, k2, k3, k4 = jax.random.split(key, 4)
    x = jax.random.normal(k1, (B, N, DIN), dtype=jnp.float32)
    edge_index = jax.random.randint(k2, (2, E), 0, N, dtype=jnp.int32)
    # learned params: nn.Linear(input_dim, output_dim)
    W = jax.random.normal(k3, (DOUT, DIN), dtype=jnp.float32) * (1.0 / np.sqrt(DIN))
    b = jax.random.normal(k4, (DOUT,), dtype=jnp.float32) * 0.05
    # BatchNorm1d params at default init (eval mode: running_mean=0, running_var=1)
    gamma = jnp.ones((DOUT,), dtype=jnp.float32)
    beta = jnp.zeros((DOUT,), dtype=jnp.float32)
    return {"x": x, "edge_index": edge_index, "W": W, "b": b, "gamma": gamma, "beta": beta}

def reference(x, edge_index, W, b, gamma, beta):
    Bn, Nn, _ = x.shape
    # linear transform
    x_t = jnp.einsum('bnd,od->bno', x, W) + b
    src = edge_index[0]
    dst = edge_index[1]
    # scatter-add aggregation: x_agg[b, dst] += x_t[b, src] (vectorized form of the python loop)
    msgs = x_t[:, src, :]                      # gather (B, E, d)
    x_agg = jnp.zeros_like(x_t).at[:, dst, :].add(msgs)
    # degree computed over src (row) counts, exactly as the torch code does
    deg = jnp.zeros((Nn,), dtype=x.dtype).at[src].add(1.0)
    deg = jnp.maximum(deg, 1.0)
    x_agg = x_agg / deg[None, :, None]
    out = x_agg + x_t
    out = out.reshape(Bn * Nn, -1)
    # BatchNorm1d in eval mode with freshly-initialized running stats (mean=0, var=1)
    eps = 1e-5
    out = (out - 0.0) / jnp.sqrt(1.0 + eps) * gamma + beta
    out = jax.nn.relu(out)
    # dropout is identity in eval mode
    return out.reshape(Bn, Nn, -1)

if __name__ == "__main__":
    import jax
    _d = setup_inputs()
    print(jax.jit(kernel)(*tuple(_d.values())))

</pallas_src>

<mosaic_0001>
#map = affine_map<(d0, d1) -> (0, 0)>
module attributes {stable_mosaic.version = 14 : i64} {
  func.func @_sc_body(%arg0: i32, %arg1: i32, %arg2: memref<20000x128xf32, #tpu.memory_space<hbm>>, %arg3: memref<5000x128xi32, #tpu.memory_space<hbm>>, %arg4: memref<640x128xf32, #tpu.memory_space<hbm>>, %arg5: memref<640x8xf32, #tpu.memory_space<hbm>>, %arg6: memref<128x8xf32, #tpu.memory_space<hbm>>, %arg7: memref<20000x128xf32, #tpu.memory_space<hbm>>, %arg8: memref<10000x8xf32, #tpu.memory_space<hbm>>, %arg9: memref<10000x128xf32, #tpu.memory_space<vmem_shared>>, %arg10: memref<10000x8xf32, #tpu.memory_space<vmem_shared>>, %arg11: memref<4x128xi32, #tpu.memory_space<vmem>>, %arg12: memref<256x128xf32, #tpu.memory_space<vmem>>, %arg13: memref<128x8xf32, #tpu.memory_space<vmem>>, %arg14: memref<!tpu.dma_semaphore, #tpu.memory_space<semaphore_mem>>, %arg15: memref<!tpu.dma_semaphore, #tpu.memory_space<semaphore_mem>>) attributes {dimension_semantics = [#tpu.dimension_semantics<core_parallel>, #tpu.dimension_semantics<subcore_parallel>], iteration_bounds = array<i64: 2, 16>, scalar_prefetch = 0 : i64, scratch_operands = 7 : i64, tpu.core_type = #tpu.core_type<sc_vector_subcore>, window_params = [{transform_indices = #map}, {transform_indices = #map}, {transform_indices = #map}, {transform_indices = #map}, {transform_indices = #map}, {transform_indices = #map}, {transform_indices = #map}]} {
    %lt3A = arith.constant 15 : i32
    %lt3A_0 = arith.cmpi slt, %arg1, %lt3A : i32
    %convert_element_type3A = arith.extui %lt3A_0 : i1 to i32
    %cond3A = arith.constant 0 : i32
    %cond3A_1 = arith.cmpi ne, %convert_element_type3A, %cond3A : i32
    scf.if %cond3A_1 {
      %mul3A_39 = arith.constant 624 : i32
      %mul3A_40 = arith.muli %arg1, %mul3A_39 : i32
      "tpu.region"() ({
        %run_scoped3A = tpu.sem_alloc : memref<!tpu.dma_semaphore, #tpu.memory_space<semaphore_mem>>
        %dma_start3A_46 = arith.constant 0 : i32
        %dma_start3A_47 = tpu.memref_slice %arg9[%mul3A_40, %dma_start3A_46] : memref<10000x128xf32, #tpu.memory_space<vmem_shared>> -> memref<624x128xf32, #tpu.memory_space<vmem_shared>>
        %dma_start3A_48 = arith.constant 0 : i32
        %dma_start3A_49 = arith.constant 0 : i32
        %dma_start3A_50 = tpu.memref_slice %arg4[%dma_start3A_48, %dma_start3A_49] : memref<640x128xf32, #tpu.memory_space<hbm>> -> memref<624x128xf32, #tpu.memory_space<hbm>>
        tpu.enqueue_dma source(%dma_start3A_50 : memref<624x128xf32, #tpu.memory_space<hbm>>) target(%dma_start3A_47 : memref<624x128xf32, #tpu.memory_space<vmem_shared>>) target_semaphore(%run_scoped3A : memref<!tpu.dma_semaphore, #tpu.memory_space<semaphore_mem>>)
        %dma_wait3A = arith.constant 0 : i32
        %dma_wait3A_51 = tpu.memref_slice %arg9[%mul3A_40, %dma_wait3A] : memref<10000x128xf32, #tpu.memory_space<vmem_shared>> -> memref<624x128xf32, #tpu.memory_space<vmem_shared>>
        %dma_wait3A_52 = arith.constant 0 : i32
        %dma_wait3A_53 = arith.constant 0 : i32
        %dma_wait3A_54 = tpu.memref_slice %arg4[%dma_wait3A_52, %dma_wait3A_53] : memref<640x128xf32, #tpu.memory_space<hbm>> -> memref<624x128xf32, #tpu.memory_space<hbm>>
        tpu.wait_dma2 semaphore(%run_scoped3A : memref<!tpu.dma_semaphore, #tpu.memory_space<semaphore_mem>>) src(%dma_wait3A_54 : memref<624x128xf32, #tpu.memory_space<hbm>>) dst(%dma_wait3A_51 : memref<624x128xf32, #tpu.memory_space<vmem_shared>>)
        tpu.yield
      }) : () -> ()
      %eq3A_41 = arith.constant 0 : i32
      %eq3A_42 = arith.cmpi eq, %arg0, %eq3A_41 : i32
      %convert_element_type3A_43 = arith.extui %eq3A_42 : i1 to i32
      %cond3A_44 = arith.constant 0 : i32
      %cond3A_45 = arith.cmpi ne, %convert_element_type3A_43, %cond3A_44 : i32
      scf.if %cond3A_45 {
        %mul3A_46 = arith.constant 624 : i32
        %mul3A_47 = arith.muli %arg1, %mul3A_46 : i32
        "tpu.region"() ({
          %run_scoped3A = tpu.sem_alloc : memref<!tpu.dma_semaphore, #tpu.memory_space<semaphore_mem>>
          %dma_start3A_48 = arith.constant 0 : i32
          %dma_start3A_49 = tpu.memref_slice %arg10[%mul3A_47, %dma_start3A_48] : memref<10000x8xf32, #tpu.memory_space<vmem_shared>> -> memref<624x8xf32, #tpu.memory_space<vmem_shared>>
          %dma_start3A_50 = arith.constant 0 : i32
          %dma_start3A_51 = arith.constant 0 : i32
          %dma_start3A_52 = tpu.memref_slice %arg5[%dma_start3A_50, %dma_start3A_51] : memref<640x8xf32, #tpu.memory_space<hbm>> -> memref<624x8xf32, #tpu.memory_space<hbm>>
          tpu.enqueue_dma source(%dma_start3A_52 : memref<624x8xf32, #tpu.memory_space<hbm>>) target(%dma_start3A_49 : memref<624x8xf32, #tpu.memory_space<vmem_shared>>) target_semaphore(%run_scoped3A : memref<!tpu.dma_semaphore, #tpu.memory_space<semaphore_mem>>)
          %dma_wait3A = arith.constant 0 : i32
          %dma_wait3A_53 = tpu.memref_slice %arg10[%mul3A_47, %dma_wait3A] : memref<10000x8xf32, #tpu.memory_space<vmem_shared>> -> memref<624x8xf32, #tpu.memory_space<vmem_shared>>
          %dma_wait3A_54 = arith.constant 0 : i32
          %dma_wait3A_55 = arith.constant 0 : i32
          %dma_wait3A_56 = tpu.memref_slice %arg5[%dma_wait3A_54, %dma_wait3A_55] : memref<640x8xf32, #tpu.memory_space<hbm>> -> memref<624x8xf32, #tpu.memory_space<hbm>>
          tpu.wait_dma2 semaphore(%run_scoped3A : memref<!tpu.dma_semaphore, #tpu.memory_space<semaphore_mem>>) src(%dma_wait3A_56 : memref<624x8xf32, #tpu.memory_space<hbm>>) dst(%dma_wait3A_53 : memref<624x8xf32, #tpu.memory_space<vmem_shared>>)
          tpu.yield
        }) : () -> ()
      } else {
      }
    } else {
    }
    %eq3A = arith.constant 15 : i32
    %eq3A_2 = arith.cmpi eq, %arg1, %eq3A : i32
    %convert_element_type3A_3 = arith.extui %eq3A_2 : i1 to i32
    %cond3A_4 = arith.constant 0 : i32
    %cond3A_5 = arith.cmpi ne, %convert_element_type3A_3, %cond3A_4 : i32
    scf.if %cond3A_5 {
      "tpu.region"() ({
        %run_scoped3A = tpu.sem_alloc : memref<!tpu.dma_semaphore, #tpu.memory_space<semaphore_mem>>
        %dma_start3A_44 = arith.constant 9360 : i32
        %dma_start3A_45 = arith.constant 0 : i32
        %dma_start3A_46 = tpu.memref_slice %arg9[%dma_start3A_44, %dma_start3A_45] : memref<10000x128xf32, #tpu.memory_space<vmem_shared>> -> memref<640x128xf32, #tpu.memory_space<vmem_shared>>
        tpu.enqueue_dma source(%arg4 : memref<640x128xf32, #tpu.memory_space<hbm>>) target(%dma_start3A_46 : memref<640x128xf32, #tpu.memory_space<vmem_shared>>) target_semaphore(%run_scoped3A : memref<!tpu.dma_semaphore, #tpu.memory_space<semaphore_mem>>)
        %dma_wait3A = arith.constant 9360 : i32
        %dma_wait3A_47 = arith.constant 0 : i32
        %dma_wait3A_48 = tpu.memref_slice %arg9[%dma_wait3A, %dma_wait3A_47] : memref<10000x128xf32, #tpu.memory_space<vmem_shared>> -> memref<640x128xf32, #tpu.memory_space<vmem_shared>>
        tpu.wait_dma2 semaphore(%run_scoped3A : memref<!tpu.dma_semaphore, #tpu.memory_space<semaphore_mem>>) src(%arg4 : memref<640x128xf32, #tpu.memory_space<hbm>>) dst(%dma_wait3A_48 : memref<640x128xf32, #tpu.memory_space<vmem_shared>>)
        tpu.yield
      }) : () -> ()
      %eq3A_39 = arith.constant 0 : i32
      %eq3A_40 = arith.cmpi eq, %arg0, %eq3A_39 : i32
      %convert_element_type3A_41 = arith.extui %eq3A_40 : i1 to i32
      %cond3A_42 = arith.constant 0 : i32
      %cond3A_43 = arith.cmpi ne, %convert_element_type3A_41, %cond3A_42 : i32
      scf.if %cond3A_43 {
        "tpu.region"() ({
          %run_scoped3A = tpu.sem_alloc : memref<!tpu.dma_semaphore, #tpu.memory_space<semaphore_mem>>
          %dma_start3A_44 = arith.constant 9360 : i32
          %dma_start3A_45 = arith.constant 0 : i32
          %dma_start3A_46 = tpu.memref_slice %arg10[%dma_start3A_44, %dma_start3A_45] : memref<10000x8xf32, #tpu.memory_space<vmem_shared>> -> memref<640x8xf32, #tpu.memory_space<vmem_shared>>
          tpu.enqueue_dma source(%arg5 : memref<640x8xf32, #tpu.memory_space<hbm>>) target(%dma_start3A_46 : memref<640x8xf32, #tpu.memory_space<vmem_shared>>) target_semaphore(%run_scoped3A : memref<!tpu.dma_semaphore, #tpu.memory_space<semaphore_mem>>)
          %dma_wait3A = arith.constant 9360 : i32
          %dma_wait3A_47 = arith.constant 0 : i32
          %dma_wait3A_48 = tpu.memref_slice %arg10[%dma_wait3A, %dma_wait3A_47] : memref<10000x8xf32, #tpu.memory_space<vmem_shared>> -> memref<640x8xf32, #tpu.memory_space<vmem_shared>>
          tpu.wait_dma2 semaphore(%run_scoped3A : memref<!tpu.dma_semaphore, #tpu.memory_space<semaphore_mem>>) src(%arg5 : memref<640x8xf32, #tpu.memory_space<hbm>>) dst(%dma_wait3A_48 : memref<640x8xf32, #tpu.memory_space<vmem_shared>>)
          tpu.yield
        }) : () -> ()
      } else {
      }
    } else {
    }
    "tpu.region"() ({
      %run_scoped3A = tpu.sem_alloc : memref<!tpu.dma_semaphore, #tpu.memory_space<semaphore_mem>>
      tpu.enqueue_dma source(%arg6 : memref<128x8xf32, #tpu.memory_space<hbm>>) target(%arg13 : memref<128x8xf32, #tpu.memory_space<vmem>>) target_semaphore(%run_scoped3A : memref<!tpu.dma_semaphore, #tpu.memory_space<semaphore_mem>>)
      tpu.wait_dma2 semaphore(%run_scoped3A : memref<!tpu.dma_semaphore, #tpu.memory_space<semaphore_mem>>) src(%arg6 : memref<128x8xf32, #tpu.memory_space<hbm>>) dst(%arg13 : memref<128x8xf32, #tpu.memory_space<vmem>>)
      tpu.yield
    }) : () -> ()
    %barrier3A = arith.constant 0 : index
    tpu.barrier barrier_id(%barrier3A)
    %mul3A = arith.constant 1250 : i32
    %mul3A_6 = arith.muli %arg0, %mul3A : i32
    %add3A = arith.addi %mul3A_6, %arg1 : i32
    %mul3A_7 = arith.constant 2 : i32
    %mul3A_8 = arith.muli %add3A, %mul3A_7 : i32
    "tpu.region"() ({
      %run_scoped3A = tpu.sem_alloc : memref<!tpu.dma_semaphore, #tpu.memory_space<semaphore_mem>>
      %dma_start3A_39 = arith.constant 0 : i32
      %dma_start3A_40 = arith.constant 0 : i32
      %dma_start3A_41 = tpu.memref_slice %arg11[%dma_start3A_39, %dma_start3A_40] : memref<4x128xi32, #tpu.memory_space<vmem>> -> memref<2x128xi32, #tpu.memory_space<vmem>>
      %dma_start3A_42 = arith.constant 0 : i32
      %dma_start3A_43 = tpu.memref_slice %arg3[%mul3A_8, %dma_start3A_42] : memref<5000x128xi32, #tpu.memory_space<hbm>> -> memref<2x128xi32, #tpu.memory_space<hbm>>
      %dma_start3A_44 = arith.constant 0 : i32
      %dma_start3A_45 = arith.constant 0 : i32
      %dma_start3A_46 = tpu.memref_slice %arg11[%dma_start3A_44, %dma_start3A_45] : memref<4x128xi32, #tpu.memory_space<vmem>> -> memref<2x128xi32, #tpu.memory_space<vmem>>
      %dma_start3A_47 = arith.constant 0 : i32
      %dma_start3A_48 = tpu.memref_slice %arg3[%mul3A_8, %dma_start3A_47] : memref<5000x128xi32, #tpu.memory_space<hbm>> -> memref<2x128xi32, #tpu.memory_space<hbm>>
      tpu.enqueue_dma source(%dma_start3A_48 : memref<2x128xi32, #tpu.memory_space<hbm>>) target(%dma_start3A_46 : memref<2x128xi32, #tpu.memory_space<vmem>>) target_semaphore(%run_scoped3A : memref<!tpu.dma_semaphore, #tpu.memory_space<semaphore_mem>>)
      %dma_wait3A = arith.constant 0 : i32
      %dma_wait3A_49 = arith.constant 0 : i32
      %dma_wait3A_50 = tpu.memref_slice %arg11[%dma_wait3A, %dma_wait3A_49] : memref<4x128xi32, #tpu.memory_space<vmem>> -> memref<2x128xi32, #tpu.memory_space<vmem>>
      %dma_wait3A_51 = arith.constant 0 : i32
      %dma_wait3A_52 = tpu.memref_slice %arg3[%mul3A_8, %dma_wait3A_51] : memref<5000x128xi32, #tpu.memory_space<hbm>> -> memref<2x128xi32, #tpu.memory_space<hbm>>
      %dma_wait3A_53 = arith.constant 0 : i32
      %dma_wait3A_54 = arith.constant 0 : i32
      %dma_wait3A_55 = tpu.memref_slice %arg11[%dma_wait3A_53, %dma_wait3A_54] : memref<4x128xi32, #tpu.memory_space<vmem>> -> memref<2x128xi32, #tpu.memory_space<vmem>>
      %dma_wait3A_56 = arith.constant 0 : i32
      %dma_wait3A_57 = tpu.memref_slice %arg3[%mul3A_8, %dma_wait3A_56] : memref<5000x128xi32, #tpu.memory_space<hbm>> -> memref<2x128xi32, #tpu.memory_space<hbm>>
      tpu.wait_dma2 semaphore(%run_scoped3A : memref<!tpu.dma_semaphore, #tpu.memory_space<semaphore_mem>>) src(%dma_wait3A_57 : memref<2x128xi32, #tpu.memory_space<hbm>>) dst(%dma_wait3A_55 : memref<2x128xi32, #tpu.memory_space<vmem>>)
      tpu.yield
    }) : () -> ()
    %dma_start3A = arith.constant 0 : i32
    %dma_start3A_9 = arith.constant 0 : i32
    %dma_start3A_10 = arith.constant 0 : i32
    %dma_start3A_11 = tpu.memref_slice %arg12[%dma_start3A_9, %dma_start3A_10] : memref<256x128xf32, #tpu.memory_space<vmem>> -> memref<128x128xf32, #tpu.memory_space<vmem>>
    %dma_start3A_12 = arith.constant 0 : i32
    %dma_start3A_13 = tpu.memref_slice %arg11[%dma_start3A, %dma_start3A_12] : memref<4x128xi32, #tpu.memory_space<vmem>> -> memref<1x128xi32, #tpu.memory_space<vmem>>
    %dma_start3A_14 = tpu.memref_squeeze %dma_start3A_13 : memref<1x128xi32, #tpu.memory_space<vmem>> -> memref<128xi32, #tpu.memory_space<vmem>>
    %dma_start3A_15 = arith.constant 0 : i32
    %dma_start3A_16 = arith.constant 0 : i32
    %dma_start3A_17 = tpu.memref_slice %arg2[%dma_start3A_15, %dma_start3A_16] : memref<20000x128xf32, #tpu.memory_space<hbm>> -> memref<20000x128xf32, #tpu.memory_space<hbm>>
    tpu.enqueue_indirect_dma source(%dma_start3A_17 : memref<20000x128xf32, #tpu.memory_space<hbm>>) target(%dma_start3A_11 : memref<128x128xf32, #tpu.memory_space<vmem>>) offsets(%dma_start3A_14 : memref<128xi32, #tpu.memory_space<vmem>>) semaphore(%arg14 : memref<!tpu.dma_semaphore, #tpu.memory_space<semaphore_mem>>)
    %scan3A = arith.constant 0 : i32
    %scan3A_18 = arith.constant 0 : i32
    %scan3A_19 = arith.constant 39 : i32
    %scan3A_20 = arith.addi %scan3A_18, %scan3A_19 : i32
    %scan3A_21 = arith.constant 1 : i32
    scf.for %scan3A_39 = %scan3A_18 to %scan3A_20 step %scan3A_21  : i32 {
      %mul3A_40 = arith.constant 2 : i32
      %mul3A_41 = arith.muli %mul3A_40, %scan3A_39 : i32
      %add3A_42 = arith.constant 0 : i32
      %add3A_43 = arith.addi %mul3A_41, %add3A_42 : i32
      %add3A_44 = arith.constant 1 : i32
      %add3A_45 = arith.addi %add3A_43, %add3A_44 : i32
      %lt3A_46 = arith.constant 78 : i32
      %lt3A_47 = arith.cmpi slt, %add3A_45, %lt3A_46 : i32
      %convert_element_type3A_48 = arith.extui %lt3A_47 : i1 to i32
      %cond3A_49 = arith.constant 0 : i32
      %cond3A_50 = arith.cmpi ne, %convert_element_type3A_48, %cond3A_49 : i32
      scf.if %cond3A_50 {
        %add3A_96 = arith.constant 1 : i32
        %add3A_97 = arith.addi %add3A_43, %add3A_96 : i32
        %mul3A_98 = arith.constant 16 : i32
        %mul3A_99 = arith.muli %add3A_97, %mul3A_98 : i32
        %add3A_100 = arith.addi %arg1, %mul3A_99 : i32
        %mul3A_101 = arith.constant 1250 : i32
        %mul3A_102 = arith.muli %arg0, %mul3A_101 : i32
        %add3A_103 = arith.addi %mul3A_102, %add3A_100 : i32
        %mul3A_104 = arith.constant 2 : i32
        %mul3A_105 = arith.muli %add3A_103, %mul3A_104 : i32
        "tpu.region"() ({
          %run_scoped3A_116 = tpu.sem_alloc : memref<!tpu.dma_semaphore, #tpu.memory_space<semaphore_mem>>
          %dma_start3A_117 = arith.constant 2 : i32
          %dma_start3A_118 = arith.constant 0 : i32
          %dma_start3A_119 = tpu.memref_slice %arg11[%dma_start3A_117, %dma_start3A_118] : memref<4x128xi32, #tpu.memory_space<vmem>> -> memref<2x128xi32, #tpu.memory_space<vmem>>
          %dma_start3A_120 = arith.constant 0 : i32
          %dma_start3A_121 = tpu.memref_slice %arg3[%mul3A_105, %dma_start3A_120] : memref<5000x128xi32, #tpu.memory_space<hbm>> -> memref<2x128xi32, #tpu.memory_space<hbm>>
          %dma_start3A_122 = arith.constant 2 : i32
          %dma_start3A_123 = arith.constant 0 : i32
          %dma_start3A_124 = tpu.memref_slice %arg11[%dma_start3A_122, %dma_start3A_123] : memref<4x128xi32, #tpu.memory_space<vmem>> -> memref<2x128xi32, #tpu.memory_space<vmem>>
          %dma_start3A_125 = arith.constant 0 : i32
          %dma_start3A_126 = tpu.memref_slice %arg3[%mul3A_105, %dma_start3A_125] : memref<5000x128xi32, #tpu.memory_space<hbm>> -> memref<2x128xi32, #tpu.memory_space<hbm>>
          tpu.enqueue_dma source(%dma_start3A_126 : memref<2x128xi32, #tpu.memory_space<hbm>>) target(%dma_start3A_124 : memref<2x128xi32, #tpu.memory_space<vmem>>) target_semaphore(%run_scoped3A_116 : memref<!tpu.dma_semaphore, #tpu.memory_space<semaphore_mem>>)
          %dma_wait3A_127 = arith.constant 2 : i32
          %dma_wait3A_128 = arith.constant 0 : i32
          %dma_wait3A_129 = tpu.memref_slice %arg11[%dma_wait3A_127, %dma_wait3A_128] : memref<4x128xi32, #tpu.memory_space<vmem>> -> memref<2x128xi32, #tpu.memory_space<vmem>>
          %dma_wait3A_130 = arith.constant 0 : i32
          %dma_wait3A_131 = tpu.memref_slice %arg3[%mul3A_105, %dma_wait3A_130] : memref<5000x128xi32, #tpu.memory_space<hbm>> -> memref<2x128xi32, #tpu.memory_space<hbm>>
          %dma_wait3A_132 = arith.constant 2 : i32
          %dma_wait3A_133 = arith.constant 0 : i32
          %dma_wait3A_134 = tpu.memref_slice %arg11[%dma_wait3A_132, %dma_wait3A_133] : memref<4x128xi32, #tpu.memory_space<vmem>> -> memref<2x128xi32, #tpu.memory_space<vmem>>
          %dma_wait3A_135 = arith.constant 0 : i32
          %dma_wait3A_136 = tpu.memref_slice %arg3[%mul3A_105, %dma_wait3A_135] : memref<5000x128xi32, #tpu.memory_space<hbm>> -> memref<2x128xi32, #tpu.memory_space<hbm>>
          tpu.wait_dma2 semaphore(%run_scoped3A_116 : memref<!tpu.dma_semaphore, #tpu.memory_space<semaphore_mem>>) src(%dma_wait3A_136 : memref<2x128xi32, #tpu.memory_space<hbm>>) dst(%dma_wait3A_134 : memref<2x128xi32, #tpu.memory_space<vmem>>)
          tpu.yield
        }) : () -> ()
        %dma_start3A_106 = arith.constant 2 : i32
        %dma_start3A_107 = arith.constant 128 : i32
        %dma_start3A_108 = arith.constant 0 : i32
        %dma_start3A_109 = tpu.memref_slice %arg12[%dma_start3A_107, %dma_start3A_108] : memref<256x128xf32, #tpu.memory_space<vmem>> -> memref<128x128xf32, #tpu.memory_space<vmem>>
        %dma_start3A_110 = arith.constant 0 : i32
        %dma_start3A_111 = tpu.memref_slice %arg11[%dma_start3A_106, %dma_start3A_110] : memref<4x128xi32, #tpu.memory_space<vmem>> -> memref<1x128xi32, #tpu.memory_space<vmem>>
        %dma_start3A_112 = tpu.memref_squeeze %dma_start3A_111 : memref<1x128xi32, #tpu.memory_space<vmem>> -> memref<128xi32, #tpu.memory_space<vmem>>
        %dma_start3A_113 = arith.constant 0 : i32
        %dma_start3A_114 = arith.constant 0 : i32
        %dma_start3A_115 = tpu.memref_slice %arg2[%dma_start3A_113, %dma_start3A_114] : memref<20000x128xf32, #tpu.memory_space<hbm>> -> memref<20000x128xf32, #tpu.memory_space<hbm>>
        tpu.enqueue_indirect_dma source(%dma_start3A_115 : memref<20000x128xf32, #tpu.memory_space<hbm>>) target(%dma_start3A_109 : memref<128x128xf32, #tpu.memory_space<vmem>>) offsets(%dma_start3A_112 : memref<128xi32, #tpu.memory_space<vmem>>) semaphore(%arg15 : memref<!tpu.dma_semaphore, #tpu.memory_space<semaphore_mem>>)
      } else {
      }
      %dma_wait3A = arith.constant 0 : i32
      %dma_wait3A_51 = arith.constant 0 : i32
      %dma_wait3A_52 = tpu.memref_slice %arg12[%dma_wait3A, %dma_wait3A_51] : memref<256x128xf32, #tpu.memory_space<vmem>> -> memref<128x128xf32, #tpu.memory_space<vmem>>
      %dma_wait3A_53 = arith.constant 0 : i32
      %dma_wait3A_54 = arith.constant 0 : i32
      %dma_wait3A_55 = tpu.memref_slice %arg2[%dma_wait3A_53, %dma_wait3A_54] : memref<20000x128xf32, #tpu.memory_space<hbm>> -> memref<128x128xf32, #tpu.memory_space<hbm>>
      %dma_wait3A_56 = arith.constant 0 : i32
      %dma_wait3A_57 = arith.constant 0 : i32
      %dma_wait3A_58 = tpu.memref_slice %arg12[%dma_wait3A_56, %dma_wait3A_57] : memref<256x128xf32, #tpu.memory_space<vmem>> -> memref<128x128xf32, #tpu.memory_space<vmem>>
      %dma_wait3A_59 = arith.constant 0 : i32
      %dma_wait3A_60 = arith.constant 0 : i32
      %dma_wait3A_61 = tpu.memref_slice %arg2[%dma_wait3A_59, %dma_wait3A_60] : memref<20000x128xf32, #tpu.memory_space<hbm>> -> memref<128x128xf32, #tpu.memory_space<hbm>>
      tpu.wait_dma2 semaphore(%arg14 : memref<!tpu.dma_semaphore, #tpu.memory_space<semaphore_mem>>) src(%dma_wait3A_61 : memref<128x128xf32, #tpu.memory_space<hbm>>) dst(%dma_wait3A_58 : memref<128x128xf32, #tpu.memory_space<vmem>>)
      %run_scoped3A = arith.constant 1 : i32
      "tpu.region"() ({
        %run_scoped3A_96 = tpu.sem_alloc : memref<!tpu.dma_semaphore, #tpu.memory_space<semaphore_mem>>
        %dma_start3A_97 = arith.constant 0 : i32
        %dma_start3A_98 = arith.constant 0 : i32
        %dma_start3A_99 = tpu.memref_slice %arg12[%dma_start3A_97, %dma_start3A_98] : memref<256x128xf32, #tpu.memory_space<vmem>> -> memref<128x128xf32, #tpu.memory_space<vmem>>
        %dma_start3A_100 = arith.constant 0 : i32
        %dma_start3A_101 = tpu.memref_slice %arg11[%run_scoped3A, %dma_start3A_100] : memref<4x128xi32, #tpu.memory_space<vmem>> -> memref<1x128xi32, #tpu.memory_space<vmem>>
        %dma_start3A_102 = tpu.memref_squeeze %dma_start3A_101 : memref<1x128xi32, #tpu.memory_space<vmem>> -> memref<128xi32, #tpu.memory_space<vmem>>
        %dma_start3A_103 = arith.constant 0 : i32
        %dma_start3A_104 = arith.constant 0 : i32
        %dma_start3A_105 = tpu.memref_slice %arg9[%dma_start3A_103, %dma_start3A_104] : memref<10000x128xf32, #tpu.memory_space<vmem_shared>> -> memref<10000x128xf32, #tpu.memory_space<vmem_shared>>
        tpu.enqueue_indirect_dma source(%dma_start3A_99 : memref<128x128xf32, #tpu.memory_space<vmem>>) target(%dma_start3A_105 : memref<10000x128xf32, #tpu.memory_space<vmem_shared>>) offsets(%dma_start3A_102 : memref<128xi32, #tpu.memory_space<vmem>>) semaphore(%run_scoped3A_96 : memref<!tpu.dma_semaphore, #tpu.memory_space<semaphore_mem>>) {add = true}
        %dma_wait3A_106 = arith.constant 0 : i32
        %dma_wait3A_107 = arith.constant 0 : i32
        %dma_wait3A_108 = tpu.memref_slice %arg12[%dma_wait3A_106, %dma_wait3A_107] : memref<256x128xf32, #tpu.memory_space<vmem>> -> memref<128x128xf32, #tpu.memory_space<vmem>>
        %dma_wait3A_109 = arith.constant 0 : i32
        %dma_wait3A_110 = tpu.memref_slice %arg11[%run_scoped3A, %dma_wait3A_109] : memref<4x128xi32, #tpu.memory_space<vmem>> -> memref<1x128xi32, #tpu.memory_space<vmem>>
        %dma_wait3A_111 = tpu.memref_squeeze %dma_wait3A_110 : memref<1x128xi32, #tpu.memory_space<vmem>> -> memref<128xi32, #tpu.memory_space<vmem>>
        %dma_wait3A_112 = arith.constant 0 : i32
        %dma_wait3A_113 = arith.constant 0 : i32
        %dma_wait3A_114 = tpu.memref_slice %arg9[%dma_wait3A_112, %dma_wait3A_113] : memref<10000x128xf32, #tpu.memory_space<vmem_shared>> -> memref<10000x128xf32, #tpu.memory_space<vmem_shared>>
        tpu.wait_indirect_dma semaphore(%run_scoped3A_96 : memref<!tpu.dma_semaphore, #tpu.memory_space<semaphore_mem>>) src(%dma_wait3A_108 : memref<128x128xf32, #tpu.memory_space<vmem>>) dst(%dma_wait3A_114 : memref<10000x128xf32, #tpu.memory_space<vmem_shared>>)
        tpu.yield
      }) : () -> ()
      %eq3A_62 = arith.constant 0 : i32
      %eq3A_63 = arith.cmpi eq, %arg0, %eq3A_62 : i32
      %convert_element_type3A_64 = arith.extui %eq3A_63 : i1 to i32
      %cond3A_65 = arith.constant 0 : i32
      %cond3A_66 = arith.cmpi ne, %convert_element_type3A_64, %cond3A_65 : i32
      scf.if %cond3A_66 {
        %run_scoped3A_96 = arith.constant 0 : i32
        "tpu.region"() ({
          %run_scoped3A_97 = tpu.sem_alloc : memref<!tpu.dma_semaphore, #tpu.memory_space<semaphore_mem>>
          %dma_start3A_98 = arith.constant 0 : i32
          %dma_start3A_99 = tpu.memref_slice %arg11[%run_scoped3A_96, %dma_start3A_98] : memref<4x128xi32, #tpu.memory_space<vmem>> -> memref<1x128xi32, #tpu.memory_space<vmem>>
          %dma_start3A_100 = tpu.memref_squeeze %dma_start3A_99 : memref<1x128xi32, #tpu.memory_space<vmem>> -> memref<128xi32, #tpu.memory_space<vmem>>
          %dma_start3A_101 = arith.constant 0 : i32
          %dma_start3A_102 = arith.constant 0 : i32
          %dma_start3A_103 = tpu.memref_slice %arg10[%dma_start3A_101, %dma_start3A_102] : memref<10000x8xf32, #tpu.memory_space<vmem_shared>> -> memref<10000x8xf32, #tpu.memory_space<vmem_shared>>
          tpu.enqueue_indirect_dma source(%arg13 : memref<128x8xf32, #tpu.memory_space<vmem>>) target(%dma_start3A_103 : memref<10000x8xf32, #tpu.memory_space<vmem_shared>>) offsets(%dma_start3A_100 : memref<128xi32, #tpu.memory_space<vmem>>) semaphore(%run_scoped3A_97 : memref<!tpu.dma_semaphore, #tpu.memory_space<semaphore_mem>>) {add = true}
          %dma_wait3A_104 = arith.constant 0 : i32
          %dma_wait3A_105 = tpu.memref_slice %arg11[%run_scoped3A_96, %dma_wait3A_104] : memref<4x128xi32, #tpu.memory_space<vmem>> -> memref<1x128xi32, #tpu.memory_space<vmem>>
          %dma_wait3A_106 = tpu.memref_squeeze %dma_wait3A_105 : memref<1x128xi32, #tpu.memory_space<vmem>> -> memref<128xi32, #tpu.memory_space<vmem>>
          %dma_wait3A_107 = arith.constant 0 : i32
          %dma_wait3A_108 = arith.constant 0 : i32
          %dma_wait3A_109 = tpu.memref_slice %arg10[%dma_wait3A_107, %dma_wait3A_108] : memref<10000x8xf32, #tpu.memory_space<vmem_shared>> -> memref<10000x8xf32, #tpu.memory_space<vmem_shared>>
          tpu.wait_indirect_dma semaphore(%run_scoped3A_97 : memref<!tpu.dma_semaphore, #tpu.memory_space<semaphore_mem>>) src(%arg13 : memref<128x8xf32, #tpu.memory_space<vmem>>) dst(%dma_wait3A_109 : memref<10000x8xf32, #tpu.memory_space<vmem_shared>>)
          tpu.yield
        }) : () -> ()
      } else {
      }
      %mul3A_67 = arith.constant 2 : i32
      %mul3A_68 = arith.muli %mul3A_67, %scan3A_39 : i32
      %add3A_69 = arith.constant 1 : i32
      %add3A_70 = arith.addi %mul3A_68, %add3A_69 : i32
      %add3A_71 = arith.constant 1 : i32
      %add3A_72 = arith.addi %add3A_70, %add3A_71 : i32
      %lt3A_73 = arith.constant 78 : i32
      %lt3A_74 = arith.cmpi slt, %add3A_72, %lt3A_73 : i32
      %convert_element_type3A_75 = arith.extui %lt3A_74 : i1 to i32
      %cond3A_76 = arith.constant 0 : i32
      %cond3A_77 = arith.cmpi ne, %convert_element_type3A_75, %cond3A_76 : i32
      scf.if %cond3A_77 {
        %add3A_96 = arith.constant 1 : i32
        %add3A_97 = arith.addi %add3A_70, %add3A_96 : i32
        %mul3A_98 = arith.constant 16 : i32
        %mul3A_99 = arith.muli %add3A_97, %mul3A_98 : i32
        %add3A_100 = arith.addi %arg1, %mul3A_99 : i32
        %mul3A_101 = arith.constant 1250 : i32
        %mul3A_102 = arith.muli %arg0, %mul3A_101 : i32
        %add3A_103 = arith.addi %mul3A_102, %add3A_100 : i32
        %mul3A_104 = arith.constant 2 : i32
        %mul3A_105 = arith.muli %add3A_103, %mul3A_104 : i32
        "tpu.region"() ({
          %run_scoped3A_116 = tpu.sem_alloc : memref<!tpu.dma_semaphore, #tpu.memory_space<semaphore_mem>>
          %dma_start3A_117 = arith.constant 0 : i32
          %dma_start3A_118 = arith.constant 0 : i32
          %dma_start3A_119 = tpu.memref_slice %arg11[%dma_start3A_117, %dma_start3A_118] : memref<4x128xi32, #tpu.memory_space<vmem>> -> memref<2x128xi32, #tpu.memory_space<vmem>>
          %dma_start3A_120 = arith.constant 0 : i32
          %dma_start3A_121 = tpu.memref_slice %arg3[%mul3A_105, %dma_start3A_120] : memref<5000x128xi32, #tpu.memory_space<hbm>> -> memref<2x128xi32, #tpu.memory_space<hbm>>
          %dma_start3A_122 = arith.constant 0 : i32
          %dma_start3A_123 = arith.constant 0 : i32
          %dma_start3A_124 = tpu.memref_slice %arg11[%dma_start3A_122, %dma_start3A_123] : memref<4x128xi32, #tpu.memory_space<vmem>> -> memref<2x128xi32, #tpu.memory_space<vmem>>
          %dma_start3A_125 = arith.constant 0 : i32
          %dma_start3A_126 = tpu.memref_slice %arg3[%mul3A_105, %dma_start3A_125] : memref<5000x128xi32, #tpu.memory_space<hbm>> -> memref<2x128xi32, #tpu.memory_space<hbm>>
          tpu.enqueue_dma source(%dma_start3A_126 : memref<2x128xi32, #tpu.memory_space<hbm>>) target(%dma_start3A_124 : memref<2x128xi32, #tpu.memory_space<vmem>>) target_semaphore(%run_scoped3A_116 : memref<!tpu.dma_semaphore, #tpu.memory_space<semaphore_mem>>)
          %dma_wait3A_127 = arith.constant 0 : i32
          %dma_wait3A_128 = arith.constant 0 : i32
          %dma_wait3A_129 = tpu.memref_slice %arg11[%dma_wait3A_127, %dma_wait3A_128] : memref<4x128xi32, #tpu.memory_space<vmem>> -> memref<2x128xi32, #tpu.memory_space<vmem>>
          %dma_wait3A_130 = arith.constant 0 : i32
          %dma_wait3A_131 = tpu.memref_slice %arg3[%mul3A_105, %dma_wait3A_130] : memref<5000x128xi32, #tpu.memory_space<hbm>> -> memref<2x128xi32, #tpu.memory_space<hbm>>
          %dma_wait3A_132 = arith.constant 0 : i32
          %dma_wait3A_133 = arith.constant 0 : i32
          %dma_wait3A_134 = tpu.memref_slice %arg11[%dma_wait3A_132, %dma_wait3A_133] : memref<4x128xi32, #tpu.memory_space<vmem>> -> memref<2x128xi32, #tpu.memory_space<vmem>>
          %dma_wait3A_135 = arith.constant 0 : i32
          %dma_wait3A_136 = tpu.memref_slice %arg3[%mul3A_105, %dma_wait3A_135] : memref<5000x128xi32, #tpu.memory_space<hbm>> -> memref<2x128xi32, #tpu.memory_space<hbm>>
          tpu.wait_dma2 semaphore(%run_scoped3A_116 : memref<!tpu.dma_semaphore, #tpu.memory_space<semaphore_mem>>) src(%dma_wait3A_136 : memref<2x128xi32, #tpu.memory_space<hbm>>) dst(%dma_wait3A_134 : memref<2x128xi32, #tpu.memory_space<vmem>>)
          tpu.yield
        }) : () -> ()
        %dma_start3A_106 = arith.constant 0 : i32
        %dma_start3A_107 = arith.constant 0 : i32
        %dma_start3A_108 = arith.constant 0 : i32
        %dma_start3A_109 = tpu.memref_slice %arg12[%dma_start3A_107, %dma_start3A_108] : memref<256x128xf32, #tpu.memory_space<vmem>> -> memref<128x128xf32, #tpu.memory_space<vmem>>
        %dma_start3A_110 = arith.constant 0 : i32
        %dma_start3A_111 = tpu.memref_slice %arg11[%dma_start3A_106, %dma_start3A_110] : memref<4x128xi32, #tpu.memory_space<vmem>> -> memref<1x128xi32, #tpu.memory_space<vmem>>
        %dma_start3A_112 = tpu.memref_squeeze %dma_start3A_111 : memref<1x128xi32, #tpu.memory_space<vmem>> -> memref<128xi32, #tpu.memory_space<vmem>>
        %dma_start3A_113 = arith.constant 0 : i32
        %dma_start3A_114 = arith.constant 0 : i32
        %dma_start3A_115 = tpu.memref_slice %arg2[%dma_start3A_113, %dma_start3A_114] : memref<20000x128xf32, #tpu.memory_space<hbm>> -> memref<20000x128xf32, #tpu.memory_space<hbm>>
        tpu.enqueue_indirect_dma source(%dma_start3A_115 : memref<20000x128xf32, #tpu.memory_space<hbm>>) target(%dma_start3A_109 : memref<128x128xf32, #tpu.memory_space<vmem>>) offsets(%dma_start3A_112 : memref<128xi32, #tpu.memory_space<vmem>>) semaphore(%arg14 : memref<!tpu.dma_semaphore, #tpu.memory_space<semaphore_mem>>)
      } else {
      }
      %dma_wait3A_78 = arith.constant 128 : i32
      %dma_wait3A_79 = arith.constant 0 : i32
      %dma_wait3A_80 = tpu.memref_slice %arg12[%dma_wait3A_78, %dma_wait3A_79] : memref<256x128xf32, #tpu.memory_space<vmem>> -> memref<128x128xf32, #tpu.memory_space<vmem>>
      %dma_wait3A_81 = arith.constant 0 : i32
      %dma_wait3A_82 = arith.constant 0 : i32
      %dma_wait3A_83 = tpu.memref_slice %arg2[%dma_wait3A_81, %dma_wait3A_82] : memref<20000x128xf32, #tpu.memory_space<hbm>> -> memref<128x128xf32, #tpu.memory_space<hbm>>
      %dma_wait3A_84 = arith.constant 128 : i32
      %dma_wait3A_85 = arith.constant 0 : i32
      %dma_wait3A_86 = tpu.memref_slice %arg12[%dma_wait3A_84, %dma_wait3A_85] : memref<256x128xf32, #tpu.memory_space<vmem>> -> memref<128x128xf32, #tpu.memory_space<vmem>>
      %dma_wait3A_87 = arith.constant 0 : i32
      %dma_wait3A_88 = arith.constant 0 : i32
      %dma_wait3A_89 = tpu.memref_slice %arg2[%dma_wait3A_87, %dma_wait3A_88] : memref<20000x128xf32, #tpu.memory_space<hbm>> -> memref<128x128xf32, #tpu.memory_space<hbm>>
      tpu.wait_dma2 semaphore(%arg15 : memref<!tpu.dma_semaphore, #tpu.memory_space<semaphore_mem>>) src(%dma_wait3A_89 : memref<128x128xf32, #tpu.memory_space<hbm>>) dst(%dma_wait3A_86 : memref<128x128xf32, #tpu.memory_space<vmem>>)
      %run_scoped3A_90 = arith.constant 3 : i32
      "tpu.region"() ({
        %run_scoped3A_96 = tpu.sem_alloc : memref<!tpu.dma_semaphore, #tpu.memory_space<semaphore_mem>>
        %dma_start3A_97 = arith.constant 128 : i32
        %dma_start3A_98 = arith.constant 0 : i32
        %dma_start3A_99 = tpu.memref_slice %arg12[%dma_start3A_97, %dma_start3A_98] : memref<256x128xf32, #tpu.memory_space<vmem>> -> memref<128x128xf32, #tpu.memory_space<vmem>>
        %dma_start3A_100 = arith.constant 0 : i32
        %dma_start3A_101 = tpu.memref_slice %arg11[%run_scoped3A_90, %dma_start3A_100] : memref<4x128xi32, #tpu.memory_space<vmem>> -> memref<1x128xi32, #tpu.memory_space<vmem>>
        %dma_start3A_102 = tpu.memref_squeeze %dma_start3A_101 : memref<1x128xi32, #tpu.memory_space<vmem>> -> memref<128xi32, #tpu.memory_space<vmem>>
        %dma_start3A_103 = arith.constant 0 : i32
        %dma_start3A_104 = arith.constant 0 : i32
        %dma_start3A_105 = tpu.memref_slice %arg9[%dma_start3A_103, %dma_start3A_104] : memref<10000x128xf32, #tpu.memory_space<vmem_shared>> -> memref<10000x128xf32, #tpu.memory_space<vmem_shared>>
        tpu.enqueue_indirect_dma source(%dma_start3A_99 : memref<128x128xf32, #tpu.memory_space<vmem>>) target(%dma_start3A_105 : memref<10000x128xf32, #tpu.memory_space<vmem_shared>>) offsets(%dma_start3A_102 : memref<128xi32, #tpu.memory_space<vmem>>) semaphore(%run_scoped3A_96 : memref<!tpu.dma_semaphore, #tpu.memory_space<semaphore_mem>>) {add = true}
        %dma_wait3A_106 = arith.constant 128 : i32
        %dma_wait3A_107 = arith.constant 0 : i32
        %dma_wait3A_108 = tpu.memref_slice %arg12[%dma_wait3A_106, %dma_wait3A_107] : memref<256x128xf32, #tpu.memory_space<vmem>> -> memref<128x128xf32, #tpu.memory_space<vmem>>
        %dma_wait3A_109 = arith.constant 0 : i32
        %dma_wait3A_110 = tpu.memref_slice %arg11[%run_scoped3A_90, %dma_wait3A_109] : memref<4x128xi32, #tpu.memory_space<vmem>> -> memref<1x128xi32, #tpu.memory_space<vmem>>
        %dma_wait3A_111 = tpu.memref_squeeze %dma_wait3A_110 : memref<1x128xi32, #tpu.memory_space<vmem>> -> memref<128xi32, #tpu.memory_space<vmem>>
        %dma_wait3A_112 = arith.constant 0 : i32
        %dma_wait3A_113 = arith.constant 0 : i32
        %dma_wait3A_114 = tpu.memref_slice %arg9[%dma_wait3A_112, %dma_wait3A_113] : memref<10000x128xf32, #tpu.memory_space<vmem_shared>> -> memref<10000x128xf32, #tpu.memory_space<vmem_shared>>
        tpu.wait_indirect_dma semaphore(%run_scoped3A_96 : memref<!tpu.dma_semaphore, #tpu.memory_space<semaphore_mem>>) src(%dma_wait3A_108 : memref<128x128xf32, #tpu.memory_space<vmem>>) dst(%dma_wait3A_114 : memref<10000x128xf32, #tpu.memory_space<vmem_shared>>)
        tpu.yield
      }) : () -> ()
      %eq3A_91 = arith.constant 0 : i32
      %eq3A_92 = arith.cmpi eq, %arg0, %eq3A_91 : i32
      %convert_element_type3A_93 = arith.extui %eq3A_92 : i1 to i32
      %cond3A_94 = arith.constant 0 : i32
      %cond3A_95 = arith.cmpi ne, %convert_element_type3A_93, %cond3A_94 : i32
      scf.if %cond3A_95 {
        %run_scoped3A_96 = arith.constant 2 : i32
        "tpu.region"() ({
          %run_scoped3A_97 = tpu.sem_alloc : memref<!tpu.dma_semaphore, #tpu.memory_space<semaphore_mem>>
          %dma_start3A_98 = arith.constant 0 : i32
          %dma_start3A_99 = tpu.memref_slice %arg11[%run_scoped3A_96, %dma_start3A_98] : memref<4x128xi32, #tpu.memory_space<vmem>> -> memref<1x128xi32, #tpu.memory_space<vmem>>
          %dma_start3A_100 = tpu.memref_squeeze %dma_start3A_99 : memref<1x128xi32, #tpu.memory_space<vmem>> -> memref<128xi32, #tpu.memory_space<vmem>>
          %dma_start3A_101 = arith.constant 0 : i32
          %dma_start3A_102 = arith.constant 0 : i32
          %dma_start3A_103 = tpu.memref_slice %arg10[%dma_start3A_101, %dma_start3A_102] : memref<10000x8xf32, #tpu.memory_space<vmem_shared>> -> memref<10000x8xf32, #tpu.memory_space<vmem_shared>>
          tpu.enqueue_indirect_dma source(%arg13 : memref<128x8xf32, #tpu.memory_space<vmem>>) target(%dma_start3A_103 : memref<10000x8xf32, #tpu.memory_space<vmem_shared>>) offsets(%dma_start3A_100 : memref<128xi32, #tpu.memory_space<vmem>>) semaphore(%run_scoped3A_97 : memref<!tpu.dma_semaphore, #tpu.memory_space<semaphore_mem>>) {add = true}
          %dma_wait3A_104 = arith.constant 0 : i32
          %dma_wait3A_105 = tpu.memref_slice %arg11[%run_scoped3A_96, %dma_wait3A_104] : memref<4x128xi32, #tpu.memory_space<vmem>> -> memref<1x128xi32, #tpu.memory_space<vmem>>
          %dma_wait3A_106 = tpu.memref_squeeze %dma_wait3A_105 : memref<1x128xi32, #tpu.memory_space<vmem>> -> memref<128xi32, #tpu.memory_space<vmem>>
          %dma_wait3A_107 = arith.constant 0 : i32
          %dma_wait3A_108 = arith.constant 0 : i32
          %dma_wait3A_109 = tpu.memref_slice %arg10[%dma_wait3A_107, %dma_wait3A_108] : memref<10000x8xf32, #tpu.memory_space<vmem_shared>> -> memref<10000x8xf32, #tpu.memory_space<vmem_shared>>
          tpu.wait_indirect_dma semaphore(%run_scoped3A_97 : memref<!tpu.dma_semaphore, #tpu.memory_space<semaphore_mem>>) src(%arg13 : memref<128x8xf32, #tpu.memory_space<vmem>>) dst(%dma_wait3A_109 : memref<10000x8xf32, #tpu.memory_space<vmem_shared>>)
          tpu.yield
        }) : () -> ()
      } else {
      }
    }
    %scan3A_22 = arith.constant 39 : i32
    %lt3A_23 = arith.constant 2 : i32
    %lt3A_24 = arith.cmpi slt, %arg1, %lt3A_23 : i32
    %convert_element_type3A_25 = arith.extui %lt3A_24 : i1 to i32
    %cond3A_26 = arith.constant 0 : i32
    %cond3A_27 = arith.cmpi ne, %convert_element_type3A_25, %cond3A_26 : i32
    scf.if %cond3A_27 {
      %add3A_39 = arith.constant 1248 : i32
      %add3A_40 = arith.addi %add3A_39, %arg1 : i32
      %mul3A_41 = arith.constant 1250 : i32
      %mul3A_42 = arith.muli %arg0, %mul3A_41 : i32
      %add3A_43 = arith.addi %mul3A_42, %add3A_40 : i32
      %mul3A_44 = arith.constant 2 : i32
      %mul3A_45 = arith.muli %add3A_43, %mul3A_44 : i32
      "tpu.region"() ({
        %run_scoped3A_72 = tpu.sem_alloc : memref<!tpu.dma_semaphore, #tpu.memory_space<semaphore_mem>>
        %dma_start3A_73 = arith.constant 0 : i32
        %dma_start3A_74 = arith.constant 0 : i32
        %dma_start3A_75 = tpu.memref_slice %arg11[%dma_start3A_73, %dma_start3A_74] : memref<4x128xi32, #tpu.memory_space<vmem>> -> memref<2x128xi32, #tpu.memory_space<vmem>>
        %dma_start3A_76 = arith.constant 0 : i32
        %dma_start3A_77 = tpu.memref_slice %arg3[%mul3A_45, %dma_start3A_76] : memref<5000x128xi32, #tpu.memory_space<hbm>> -> memref<2x128xi32, #tpu.memory_space<hbm>>
        %dma_start3A_78 = arith.constant 0 : i32
        %dma_start3A_79 = arith.constant 0 : i32
        %dma_start3A_80 = tpu.memref_slice %arg11[%dma_start3A_78, %dma_start3A_79] : memref<4x128xi32, #tpu.memory_space<vmem>> -> memref<2x128xi32, #tpu.memory_space<vmem>>
        %dma_start3A_81 = arith.constant 0 : i32
        %dma_start3A_82 = tpu.memref_slice %arg3[%mul3A_45, %dma_start3A_81] : memref<5000x128xi32, #tpu.memory_space<hbm>> -> memref<2x128xi32, #tpu.memory_space<hbm>>
        tpu.enqueue_dma source(%dma_start3A_82 : memref<2x128xi32, #tpu.memory_space<hbm>>) target(%dma_start3A_80 : memref<2x128xi32, #tpu.memory_space<vmem>>) target_semaphore(%run_scoped3A_72 : memref<!tpu.dma_semaphore, #tpu.memory_space<semaphore_mem>>)
        %dma_wait3A_83 = arith.constant 0 : i32
        %dma_wait3A_84 = arith.constant 0 : i32
        %dma_wait3A_85 = tpu.memref_slice %arg11[%dma_wait3A_83, %dma_wait3A_84] : memref<4x128xi32, #tpu.memory_space<vmem>> -> memref<2x128xi32, #tpu.memory_space<vmem>>
        %dma_wait3A_86 = arith.constant 0 : i32
        %dma_wait3A_87 = tpu.memref_slice %arg3[%mul3A_45, %dma_wait3A_86] : memref<5000x128xi32, #tpu.memory_space<hbm>> -> memref<2x128xi32, #tpu.memory_space<hbm>>
        %dma_wait3A_88 = arith.constant 0 : i32
        %dma_wait3A_89 = arith.constant 0 : i32
        %dma_wait3A_90 = tpu.memref_slice %arg11[%dma_wait3A_88, %dma_wait3A_89] : memref<4x128xi32, #tpu.memory_space<vmem>> -> memref<2x128xi32, #tpu.memory_space<vmem>>
        %dma_wait3A_91 = arith.constant 0 : i32
        %dma_wait3A_92 = tpu.memref_slice %arg3[%mul3A_45, %dma_wait3A_91] : memref<5000x128xi32, #tpu.memory_space<hbm>> -> memref<2x128xi32, #tpu.memory_space<hbm>>
        tpu.wait_dma2 semaphore(%run_scoped3A_72 : memref<!tpu.dma_semaphore, #tpu.memory_space<semaphore_mem>>) src(%dma_wait3A_92 : memref<2x128xi32, #tpu.memory_space<hbm>>) dst(%dma_wait3A_90 : memref<2x128xi32, #tpu.memory_space<vmem>>)
        tpu.yield
      }) : () -> ()
      %dma_start3A_46 = arith.constant 0 : i32
      %dma_start3A_47 = arith.constant 0 : i32
      %dma_start3A_48 = arith.constant 0 : i32
      %dma_start3A_49 = tpu.memref_slice %arg12[%dma_start3A_47, %dma_start3A_48] : memref<256x128xf32, #tpu.memory_space<vmem>> -> memref<128x128xf32, #tpu.memory_space<vmem>>
      %dma_start3A_50 = arith.constant 0 : i32
      %dma_start3A_51 = tpu.memref_slice %arg11[%dma_start3A_46, %dma_start3A_50] : memref<4x128xi32, #tpu.memory_space<vmem>> -> memref<1x128xi32, #tpu.memory_space<vmem>>
      %dma_start3A_52 = tpu.memref_squeeze %dma_start3A_51 : memref<1x128xi32, #tpu.memory_space<vmem>> -> memref<128xi32, #tpu.memory_space<vmem>>
      %dma_start3A_53 = arith.constant 0 : i32
      %dma_start3A_54 = arith.constant 0 : i32
      %dma_start3A_55 = tpu.memref_slice %arg2[%dma_start3A_53, %dma_start3A_54] : memref<20000x128xf32, #tpu.memory_space<hbm>> -> memref<20000x128xf32, #tpu.memory_space<hbm>>
      tpu.enqueue_indirect_dma source(%dma_start3A_55 : memref<20000x128xf32, #tpu.memory_space<hbm>>) target(%dma_start3A_49 : memref<128x128xf32, #tpu.memory_space<vmem>>) offsets(%dma_start3A_52 : memref<128xi32, #tpu.memory_space<vmem>>) semaphore(%arg14 : memref<!tpu.dma_semaphore, #tpu.memory_space<semaphore_mem>>)
      %dma_wait3A = arith.constant 0 : i32
      %dma_wait3A_56 = arith.constant 0 : i32
      %dma_wait3A_57 = tpu.memref_slice %arg12[%dma_wait3A, %dma_wait3A_56] : memref<256x128xf32, #tpu.memory_space<vmem>> -> memref<128x128xf32, #tpu.memory_space<vmem>>
      %dma_wait3A_58 = arith.constant 0 : i32
      %dma_wait3A_59 = arith.constant 0 : i32
      %dma_wait3A_60 = tpu.memref_slice %arg2[%dma_wait3A_58, %dma_wait3A_59] : memref<20000x128xf32, #tpu.memory_space<hbm>> -> memref<128x128xf32, #tpu.memory_space<hbm>>
      %dma_wait3A_61 = arith.constant 0 : i32
      %dma_wait3A_62 = arith.constant 0 : i32
      %dma_wait3A_63 = tpu.memref_slice %arg12[%dma_wait3A_61, %dma_wait3A_62] : memref<256x128xf32, #tpu.memory_space<vmem>> -> memref<128x128xf32, #tpu.memory_space<vmem>>
      %dma_wait3A_64 = arith.constant 0 : i32
      %dma_wait3A_65 = arith.constant 0 : i32
      %dma_wait3A_66 = tpu.memref_slice %arg2[%dma_wait3A_64, %dma_wait3A_65] : memref<20000x128xf32, #tpu.memory_space<hbm>> -> memref<128x128xf32, #tpu.memory_space<hbm>>
      tpu.wait_dma2 semaphore(%arg14 : memref<!tpu.dma_semaphore, #tpu.memory_space<semaphore_mem>>) src(%dma_wait3A_66 : memref<128x128xf32, #tpu.memory_space<hbm>>) dst(%dma_wait3A_63 : memref<128x128xf32, #tpu.memory_space<vmem>>)
      %run_scoped3A = arith.constant 1 : i32
      "tpu.region"() ({
        %run_scoped3A_72 = tpu.sem_alloc : memref<!tpu.dma_semaphore, #tpu.memory_space<semaphore_mem>>
        %dma_start3A_73 = arith.constant 0 : i32
        %dma_start3A_74 = arith.constant 0 : i32
        %dma_start3A_75 = tpu.memref_slice %arg12[%dma_start3A_73, %dma_start3A_74] : memref<256x128xf32, #tpu.memory_space<vmem>> -> memref<128x128xf32, #tpu.memory_space<vmem>>
        %dma_start3A_76 = arith.constant 0 : i32
        %dma_start3A_77 = tpu.memref_slice %arg11[%run_scoped3A, %dma_start3A_76] : memref<4x128xi32, #tpu.memory_space<vmem>> -> memref<1x128xi32, #tpu.memory_space<vmem>>
        %dma_start3A_78 = tpu.memref_squeeze %dma_start3A_77 : memref<1x128xi32, #tpu.memory_space<vmem>> -> memref<128xi32, #tpu.memory_space<vmem>>
        %dma_start3A_79 = arith.constant 0 : i32
        %dma_start3A_80 = arith.constant 0 : i32
        %dma_start3A_81 = tpu.memref_slice %arg9[%dma_start3A_79, %dma_start3A_80] : memref<10000x128xf32, #tpu.memory_space<vmem_shared>> -> memref<10000x128xf32, #tpu.memory_space<vmem_shared>>
        tpu.enqueue_indirect_dma source(%dma_start3A_75 : memref<128x128xf32, #tpu.memory_space<vmem>>) target(%dma_start3A_81 : memref<10000x128xf32, #tpu.memory_space<vmem_shared>>) offsets(%dma_start3A_78 : memref<128xi32, #tpu.memory_space<vmem>>) semaphore(%run_scoped3A_72 : memref<!tpu.dma_semaphore, #tpu.memory_space<semaphore_mem>>) {add = true}
        %dma_wait3A_82 = arith.constant 0 : i32
        %dma_wait3A_83 = arith.constant 0 : i32
        %dma_wait3A_84 = tpu.memref_slice %arg12[%dma_wait3A_82, %dma_wait3A_83] : memref<256x128xf32, #tpu.memory_space<vmem>> -> memref<128x128xf32, #tpu.memory_space<vmem>>
        %dma_wait3A_85 = arith.constant 0 : i32
        %dma_wait3A_86 = tpu.memref_slice %arg11[%run_scoped3A, %dma_wait3A_85] : memref<4x128xi32, #tpu.memory_space<vmem>> -> memref<1x128xi32, #tpu.memory_space<vmem>>
        %dma_wait3A_87 = tpu.memref_squeeze %dma_wait3A_86 : memref<1x128xi32, #tpu.memory_space<vmem>> -> memref<128xi32, #tpu.memory_space<vmem>>
        %dma_wait3A_88 = arith.constant 0 : i32
        %dma_wait3A_89 = arith.constant 0 : i32
        %dma_wait3A_90 = tpu.memref_slice %arg9[%dma_wait3A_88, %dma_wait3A_89] : memref<10000x128xf32, #tpu.memory_space<vmem_shared>> -> memref<10000x128xf32, #tpu.memory_space<vmem_shared>>
        tpu.wait_indirect_dma semaphore(%run_scoped3A_72 : memref<!tpu.dma_semaphore, #tpu.memory_space<semaphore_mem>>) src(%dma_wait3A_84 : memref<128x128xf32, #tpu.memory_space<vmem>>) dst(%dma_wait3A_90 : memref<10000x128xf32, #tpu.memory_space<vmem_shared>>)
        tpu.yield
      }) : () -> ()
      %eq3A_67 = arith.constant 0 : i32
      %eq3A_68 = arith.cmpi eq, %arg0, %eq3A_67 : i32
      %convert_element_type3A_69 = arith.extui %eq3A_68 : i1 to i32
      %cond3A_70 = arith.constant 0 : i32
      %cond3A_71 = arith.cmpi ne, %convert_element_type3A_69, %cond3A_70 : i32
      scf.if %cond3A_71 {
        %run_scoped3A_72 = arith.constant 0 : i32
        "tpu.region"() ({
          %run_scoped3A_73 = tpu.sem_alloc : memref<!tpu.dma_semaphore, #tpu.memory_space<semaphore_mem>>
          %dma_start3A_74 = arith.constant 0 : i32
          %dma_start3A_75 = tpu.memref_slice %arg11[%run_scoped3A_72, %dma_start3A_74] : memref<4x128xi32, #tpu.memory_space<vmem>> -> memref<1x128xi32, #tpu.memory_space<vmem>>
          %dma_start3A_76 = tpu.memref_squeeze %dma_start3A_75 : memref<1x128xi32, #tpu.memory_space<vmem>> -> memref<128xi32, #tpu.memory_space<vmem>>
          %dma_start3A_77 = arith.constant 0 : i32
          %dma_start3A_78 = arith.constant 0 : i32
          %dma_start3A_79 = tpu.memref_slice %arg10[%dma_start3A_77, %dma_start3A_78] : memref<10000x8xf32, #tpu.memory_space<vmem_shared>> -> memref<10000x8xf32, #tpu.memory_space<vmem_shared>>
          tpu.enqueue_indirect_dma source(%arg13 : memref<128x8xf32, #tpu.memory_space<vmem>>) target(%dma_start3A_79 : memref<10000x8xf32, #tpu.memory_space<vmem_shared>>) offsets(%dma_start3A_76 : memref<128xi32, #tpu.memory_space<vmem>>) semaphore(%run_scoped3A_73 : memref<!tpu.dma_semaphore, #tpu.memory_space<semaphore_mem>>) {add = true}
          %dma_wait3A_80 = arith.constant 0 : i32
          %dma_wait3A_81 = tpu.memref_slice %arg11[%run_scoped3A_72, %dma_wait3A_80] : memref<4x128xi32, #tpu.memory_space<vmem>> -> memref<1x128xi32, #tpu.memory_space<vmem>>
          %dma_wait3A_82 = tpu.memref_squeeze %dma_wait3A_81 : memref<1x128xi32, #tpu.memory_space<vmem>> -> memref<128xi32, #tpu.memory_space<vmem>>
          %dma_wait3A_83 = arith.constant 0 : i32
          %dma_wait3A_84 = arith.constant 0 : i32
          %dma_wait3A_85 = tpu.memref_slice %arg10[%dma_wait3A_83, %dma_wait3A_84] : memref<10000x8xf32, #tpu.memory_space<vmem_shared>> -> memref<10000x8xf32, #tpu.memory_space<vmem_shared>>
          tpu.wait_indirect_dma semaphore(%run_scoped3A_73 : memref<!tpu.dma_semaphore, #tpu.memory_space<semaphore_mem>>) src(%arg13 : memref<128x8xf32, #tpu.memory_space<vmem>>) dst(%dma_wait3A_85 : memref<10000x8xf32, #tpu.memory_space<vmem_shared>>)
          tpu.yield
        }) : () -> ()
      } else {
      }
    } else {
    }
    %barrier3A_28 = arith.constant 0 : index
    tpu.barrier barrier_id(%barrier3A_28)
    %lt3A_29 = arith.constant 15 : i32
    %lt3A_30 = arith.cmpi slt, %arg1, %lt3A_29 : i32
    %convert_element_type3A_31 = arith.extui %lt3A_30 : i1 to i32
    %cond3A_32 = arith.constant 0 : i32
    %cond3A_33 = arith.cmpi ne, %convert_element_type3A_31, %cond3A_32 : i32
    scf.if %cond3A_33 {
      %mul3A_39 = arith.constant 624 : i32
      %mul3A_40 = arith.muli %arg1, %mul3A_39 : i32
      %mul3A_41 = arith.constant 10000 : i32
      %mul3A_42 = arith.muli %arg0, %mul3A_41 : i32
      %add3A_43 = arith.addi %mul3A_42, %mul3A_40 : i32
      "tpu.region"() ({
        %run_scoped3A = tpu.sem_alloc : memref<!tpu.dma_semaphore, #tpu.memory_space<semaphore_mem>>
        %dma_start3A_49 = arith.constant 0 : i32
        %dma_start3A_50 = tpu.memref_slice %arg7[%add3A_43, %dma_start3A_49] : memref<20000x128xf32, #tpu.memory_space<hbm>> -> memref<624x128xf32, #tpu.memory_space<hbm>>
        %dma_start3A_51 = arith.constant 0 : i32
        %dma_start3A_52 = tpu.memref_slice %arg9[%mul3A_40, %dma_start3A_51] : memref<10000x128xf32, #tpu.memory_space<vmem_shared>> -> memref<624x128xf32, #tpu.memory_space<vmem_shared>>
        tpu.enqueue_dma source(%dma_start3A_52 : memref<624x128xf32, #tpu.memory_space<vmem_shared>>) target(%dma_start3A_50 : memref<624x128xf32, #tpu.memory_space<hbm>>) target_semaphore(%run_scoped3A : memref<!tpu.dma_semaphore, #tpu.memory_space<semaphore_mem>>)
        %dma_wait3A = arith.constant 0 : i32
        %dma_wait3A_53 = tpu.memref_slice %arg7[%add3A_43, %dma_wait3A] : memref<20000x128xf32, #tpu.memory_space<hbm>> -> memref<624x128xf32, #tpu.memory_space<hbm>>
        %dma_wait3A_54 = arith.constant 0 : i32
        %dma_wait3A_55 = tpu.memref_slice %arg9[%mul3A_40, %dma_wait3A_54] : memref<10000x128xf32, #tpu.memory_space<vmem_shared>> -> memref<624x128xf32, #tpu.memory_space<vmem_shared>>
        tpu.wait_dma2 semaphore(%run_scoped3A : memref<!tpu.dma_semaphore, #tpu.memory_space<semaphore_mem>>) src(%dma_wait3A_55 : memref<624x128xf32, #tpu.memory_space<vmem_shared>>) dst(%dma_wait3A_53 : memref<624x128xf32, #tpu.memory_space<hbm>>)
        tpu.yield
      }) : () -> ()
      %eq3A_44 = arith.constant 0 : i32
      %eq3A_45 = arith.cmpi eq, %arg0, %eq3A_44 : i32
      %convert_element_type3A_46 = arith.extui %eq3A_45 : i1 to i32
      %cond3A_47 = arith.constant 0 : i32
      %cond3A_48 = arith.cmpi ne, %convert_element_type3A_46, %cond3A_47 : i32
      scf.if %cond3A_48 {
        "tpu.region"() ({
          %run_scoped3A = tpu.sem_alloc : memref<!tpu.dma_semaphore, #tpu.memory_space<semaphore_mem>>
          %dma_start3A_49 = arith.constant 0 : i32
          %dma_start3A_50 = tpu.memref_slice %arg8[%mul3A_40, %dma_start3A_49] : memref<10000x8xf32, #tpu.memory_space<hbm>> -> memref<624x8xf32, #tpu.memory_space<hbm>>
          %dma_start3A_51 = arith.constant 0 : i32
          %dma_start3A_52 = tpu.memref_slice %arg10[%mul3A_40, %dma_start3A_51] : memref<10000x8xf32, #tpu.memory_space<vmem_shared>> -> memref<624x8xf32, #tpu.memory_space<vmem_shared>>
          tpu.enqueue_dma source(%dma_start3A_52 : memref<624x8xf32, #tpu.memory_space<vmem_shared>>) target(%dma_start3A_50 : memref<624x8xf32, #tpu.memory_space<hbm>>) target_semaphore(%run_scoped3A : memref<!tpu.dma_semaphore, #tpu.memory_space<semaphore_mem>>)
          %dma_wait3A = arith.constant 0 : i32
          %dma_wait3A_53 = tpu.memref_slice %arg8[%mul3A_40, %dma_wait3A] : memref<10000x8xf32, #tpu.memory_space<hbm>> -> memref<624x8xf32, #tpu.memory_space<hbm>>
          %dma_wait3A_54 = arith.constant 0 : i32
          %dma_wait3A_55 = tpu.memref_slice %arg10[%mul3A_40, %dma_wait3A_54] : memref<10000x8xf32, #tpu.memory_space<vmem_shared>> -> memref<624x8xf32, #tpu.memory_space<vmem_shared>>
          tpu.wait_dma2 semaphore(%run_scoped3A : memref<!tpu.dma_semaphore, #tpu.memory_space<semaphore_mem>>) src(%dma_wait3A_55 : memref<624x8xf32, #tpu.memory_space<vmem_shared>>) dst(%dma_wait3A_53 : memref<624x8xf32, #tpu.memory_space<hbm>>)
          tpu.yield
        }) : () -> ()
      } else {
      }
    } else {
    }
    %eq3A_34 = arith.constant 15 : i32
    %eq3A_35 = arith.cmpi eq, %arg1, %eq3A_34 : i32
    %convert_element_type3A_36 = arith.extui %eq3A_35 : i1 to i32
    %cond3A_37 = arith.constant 0 : i32
    %cond3A_38 = arith.cmpi ne, %convert_element_type3A_36, %cond3A_37 : i32
    scf.if %cond3A_38 {
      %mul3A_39 = arith.constant 10000 : i32
      %mul3A_40 = arith.muli %arg0, %mul3A_39 : i32
      %add3A_41 = arith.constant 9360 : i32
      %add3A_42 = arith.addi %mul3A_40, %add3A_41 : i32
      "tpu.region"() ({
        %run_scoped3A = tpu.sem_alloc : memref<!tpu.dma_semaphore, #tpu.memory_space<semaphore_mem>>
        %dma_start3A_48 = arith.constant 0 : i32
        %dma_start3A_49 = tpu.memref_slice %arg7[%add3A_42, %dma_start3A_48] : memref<20000x128xf32, #tpu.memory_space<hbm>> -> memref<640x128xf32, #tpu.memory_space<hbm>>
        %dma_start3A_50 = arith.constant 9360 : i32
        %dma_start3A_51 = arith.constant 0 : i32
        %dma_start3A_52 = tpu.memref_slice %arg9[%dma_start3A_50, %dma_start3A_51] : memref<10000x128xf32, #tpu.memory_space<vmem_shared>> -> memref<640x128xf32, #tpu.memory_space<vmem_shared>>
        tpu.enqueue_dma source(%dma_start3A_52 : memref<640x128xf32, #tpu.memory_space<vmem_shared>>) target(%dma_start3A_49 : memref<640x128xf32, #tpu.memory_space<hbm>>) target_semaphore(%run_scoped3A : memref<!tpu.dma_semaphore, #tpu.memory_space<semaphore_mem>>)
        %dma_wait3A = arith.constant 0 : i32
        %dma_wait3A_53 = tpu.memref_slice %arg7[%add3A_42, %dma_wait3A] : memref<20000x128xf32, #tpu.memory_space<hbm>> -> memref<640x128xf32, #tpu.memory_space<hbm>>
        %dma_wait3A_54 = arith.constant 9360 : i32
        %dma_wait3A_55 = arith.constant 0 : i32
        %dma_wait3A_56 = tpu.memref_slice %arg9[%dma_wait3A_54, %dma_wait3A_55] : memref<10000x128xf32, #tpu.memory_space<vmem_shared>> -> memref<640x128xf32, #tpu.memory_space<vmem_shared>>
        tpu.wait_dma2 semaphore(%run_scoped3A : memref<!tpu.dma_semaphore, #tpu.memory_space<semaphore_mem>>) src(%dma_wait3A_56 : memref<640x128xf32, #tpu.memory_space<vmem_shared>>) dst(%dma_wait3A_53 : memref<640x128xf32, #tpu.memory_space<hbm>>)
        tpu.yield
      }) : () -> ()
      %eq3A_43 = arith.constant 0 : i32
      %eq3A_44 = arith.cmpi eq, %arg0, %eq3A_43 : i32
      %convert_element_type3A_45 = arith.extui %eq3A_44 : i1 to i32
      %cond3A_46 = arith.constant 0 : i32
      %cond3A_47 = arith.cmpi ne, %convert_element_type3A_45, %cond3A_46 : i32
      scf.if %cond3A_47 {
        "tpu.region"() ({
          %run_scoped3A = tpu.sem_alloc : memref<!tpu.dma_semaphore, #tpu.memory_space<semaphore_mem>>
          %dma_start3A_48 = arith.constant 9360 : i32
          %dma_start3A_49 = arith.constant 0 : i32
          %dma_start3A_50 = tpu.memref_slice %arg8[%dma_start3A_48, %dma_start3A_49] : memref<10000x8xf32, #tpu.memory_space<hbm>> -> memref<640x8xf32, #tpu.memory_space<hbm>>
          %dma_start3A_51 = arith.constant 9360 : i32
          %dma_start3A_52 = arith.constant 0 : i32
          %dma_start3A_53 = tpu.memref_slice %arg10[%dma_start3A_51, %dma_start3A_52] : memref<10000x8xf32, #tpu.memory_space<vmem_shared>> -> memref<640x8xf32, #tpu.memory_space<vmem_shared>>
          tpu.enqueue_dma source(%dma_start3A_53 : memref<640x8xf32, #tpu.memory_space<vmem_shared>>) target(%dma_start3A_50 : memref<640x8xf32, #tpu.memory_space<hbm>>) target_semaphore(%run_scoped3A : memref<!tpu.dma_semaphore, #tpu.memory_space<semaphore_mem>>)
          %dma_wait3A = arith.constant 9360 : i32
          %dma_wait3A_54 = arith.constant 0 : i32
          %dma_wait3A_55 = tpu.memref_slice %arg8[%dma_wait3A, %dma_wait3A_54] : memref<10000x8xf32, #tpu.memory_space<hbm>> -> memref<640x8xf32, #tpu.memory_space<hbm>>
          %dma_wait3A_56 = arith.constant 9360 : i32
          %dma_wait3A_57 = arith.constant 0 : i32
          %dma_wait3A_58 = tpu.memref_slice %arg10[%dma_wait3A_56, %dma_wait3A_57] : memref<10000x8xf32, #tpu.memory_space<vmem_shared>> -> memref<640x8xf32, #tpu.memory_space<vmem_shared>>
          tpu.wait_dma2 semaphore(%run_scoped3A : memref<!tpu.dma_semaphore, #tpu.memory_space<semaphore_mem>>) src(%dma_wait3A_58 : memref<640x8xf32, #tpu.memory_space<vmem_shared>>) dst(%dma_wait3A_55 : memref<640x8xf32, #tpu.memory_space<hbm>>)
          tpu.yield
        }) : () -> ()
      } else {
      }
    } else {
    }
    return
  }
}

module attributes {stable_mosaic.version = 14 : i64} {
  func.func @_lin_body(%arg0: i32, %arg1: memref<2000x128xf32, #tpu.memory_space<vmem>>, %arg2: memref<128x128xf32, #tpu.memory_space<vmem>>, %arg3: memref<1x128xf32, #tpu.memory_space<vmem>>, %arg4: memref<2000x128xf32, #tpu.memory_space<vmem>>) attributes {dimension_semantics = [#tpu.dimension_semantics<arbitrary>], iteration_bounds = array<i64: 10>, scalar_prefetch = 0 : i64, scratch_operands = 0 : i64, tpu.core_type = #tpu.core_type<tc>, window_params = [{transform_indices = @transform_0, window_bounds = array<i64: 2000, 128>}, {pipeline_mode = #tpu.pipeline_mode<synchronous>, transform_indices = @transform_1, window_bounds = array<i64: 128, 128>}, {pipeline_mode = #tpu.pipeline_mode<synchronous>, transform_indices = @transform_2, window_bounds = array<i64: 1, 128>}, {transform_indices = @transform_3, window_bounds = array<i64: 2000, 128>}]} {
    %get3A = arith.constant 0 : index
    %get3A_0 = arith.constant 0 : index
    %get3A_1 = vector.load %arg1[%get3A, %get3A_0] : memref<2000x128xf32, #tpu.memory_space<vmem>>, vector<2000x128xf32>
    %get3A_2 = arith.constant 0 : index
    %get3A_3 = arith.constant 0 : index
    %get3A_4 = vector.load %arg2[%get3A_2, %get3A_3] : memref<128x128xf32, #tpu.memory_space<vmem>>, vector<128x128xf32>
    %dot_general3A = arith.constant dense<0.000000e+00> : vector<2000x128xf32>
    %dot_general3A_5 = tpu.matmul %get3A_1, %get3A_4, %dot_general3A {dimension_numbers = #tpu.dot_dimension_numbers<[1], [0], [0], [1], [0, 0, 1, 1], [], []>, precision = #tpu.contract_precision<fp32>, transpose_lhs_hint = false} : vector<2000x128xf32>, vector<128x128xf32>, vector<2000x128xf32> -> vector<2000x128xf32>
    %get3A_6 = arith.constant 0 : index
    %get3A_7 = arith.constant 0 : index
    %get3A_8 = vector.load %arg3[%get3A_6, %get3A_7] : memref<1x128xf32, #tpu.memory_space<vmem>>, vector<1x128xf32>
    %add3A = vector.broadcast %get3A_8 : vector<1x128xf32> to vector<2000x128xf32>
    %add3A_9 = arith.addf %dot_general3A_5, %add3A : vector<2000x128xf32>
    %swap3A = arith.constant 0 : index
    %swap3A_10 = arith.constant 0 : index
    %swap3A_11 = vector.load %arg4[%swap3A, %swap3A_10] : memref<2000x128xf32, #tpu.memory_space<vmem>>, vector<2000x128xf32>
    tpu.vector_store %arg4[%swap3A, %swap3A_10], %add3A_9 {strides = array<i32>} : memref<2000x128xf32, #tpu.memory_space<vmem>>, vector<2000x128xf32>,
    return
  }
  func.func @transform_0(%arg0: i32) -> (i32, i32) {
    %c0_i32 = arith.constant 0 : i32
    %c0_i32_0 = arith.constant 0 : i32
    return %arg0, %c0_i32 : i32, i32
  }
  func.func @transform_1(%arg0: i32) -> (i32, i32) {
    %c0_i32 = arith.constant 0 : i32
    %c0_i32_0 = arith.constant 0 : i32
    %c0_i32_1 = arith.constant 0 : i32
    return %c0_i32, %c0_i32_0 : i32, i32
  }
  func.func @transform_2(%arg0: i32) -> (i32, i32) {
    %c0_i32 = arith.constant 0 : i32
    %c0_i32_0 = arith.constant 0 : i32
    %c0_i32_1 = arith.constant 0 : i32
    return %c0_i32, %c0_i32_0 : i32, i32
  }
  func.func @transform_3(%arg0: i32) -> (i32, i32) {
    %c0_i32 = arith.constant 0 : i32
    %c0_i32_0 = arith.constant 0 : i32
    return %arg0, %c0_i32 : i32, i32
  }
}

module attributes {stable_mosaic.version = 14 : i64} {
  func.func @_epi_body(%arg0: i32, %arg1: i32, %arg2: memref<1x2000x128xf32, #tpu.memory_space<vmem>>, %arg3: memref<1x2000x128xf32, #tpu.memory_space<vmem>>, %arg4: memref<2000x8xf32, #tpu.memory_space<vmem>>, %arg5: memref<1x128xf32, #tpu.memory_space<vmem>>, %arg6: memref<1x128xf32, #tpu.memory_space<vmem>>, %arg7: memref<1x2000x128xf32, #tpu.memory_space<vmem>>) attributes {dimension_semantics = [#tpu.dimension_semantics<arbitrary>, #tpu.dimension_semantics<arbitrary>], iteration_bounds = array<i64: 2, 5>, scalar_prefetch = 0 : i64, scratch_operands = 0 : i64, tpu.core_type = #tpu.core_type<tc>, window_params = [{transform_indices = @transform_0, window_bounds = array<i64: 1, 2000, 128>}, {transform_indices = @transform_1, window_bounds = array<i64: 1, 2000, 128>}, {transform_indices = @transform_2, window_bounds = array<i64: 2000, 8>}, {pipeline_mode = #tpu.pipeline_mode<synchronous>, transform_indices = @transform_3, window_bounds = array<i64: 1, 128>}, {pipeline_mode = #tpu.pipeline_mode<synchronous>, transform_indices = @transform_4, window_bounds = array<i64: 1, 128>}, {transform_indices = @transform_5, window_bounds = array<i64: 1, 2000, 128>}]} {
    %get3A = arith.constant 0 : index
    %get3A_0 = arith.constant 0 : index
    %get3A_1 = vector.load %arg4[%get3A, %get3A_0] : memref<2000x8xf32, #tpu.memory_space<vmem>>, vector<2000x1xf32>
    %max3A = arith.constant 1.000000e+00 : f32
    %max3A_2 = vector.broadcast %max3A : f32 to vector<2000x1xf32>
    %max3A_3 = arith.maximumf %get3A_1, %max3A_2 : vector<2000x1xf32>
    %get3A_4 = arith.constant 0 : index
    %get3A_5 = arith.constant 0 : index
    %get3A_6 = arith.constant 0 : index
    %get3A_7 = vector.load %arg3[%get3A_4, %get3A_5, %get3A_6] : memref<1x2000x128xf32, #tpu.memory_space<vmem>>, vector<1x2000x128xf32>
    %get3A_8 = vector.shape_cast %get3A_7 : vector<1x2000x128xf32> to vector<2000x128xf32>
    %div3A = vector.broadcast %max3A_3 : vector<2000x1xf32> to vector<2000x128xf32>
    %div3A_9 = arith.divf %get3A_8, %div3A : vector<2000x128xf32>
    %get3A_10 = arith.constant 0 : index
    %get3A_11 = arith.constant 0 : index
    %get3A_12 = arith.constant 0 : index
    %get3A_13 = vector.load %arg2[%get3A_10, %get3A_11, %get3A_12] : memref<1x2000x128xf32, #tpu.memory_space<vmem>>, vector<1x2000x128xf32>
    %get3A_14 = vector.shape_cast %get3A_13 : vector<1x2000x128xf32> to vector<2000x128xf32>
    %add3A = arith.addf %div3A_9, %get3A_14 : vector<2000x128xf32>
    %get3A_15 = arith.constant 0 : index
    %get3A_16 = arith.constant 0 : index
    %get3A_17 = vector.load %arg5[%get3A_15, %get3A_16] : memref<1x128xf32, #tpu.memory_space<vmem>>, vector<1x128xf32>
    %mul3A = vector.broadcast %get3A_17 : vector<1x128xf32> to vector<2000x128xf32>
    %mul3A_18 = arith.mulf %add3A, %mul3A : vector<2000x128xf32>
    %get3A_19 = arith.constant 0 : index
    %get3A_20 = arith.constant 0 : index
    %get3A_21 = vector.load %arg6[%get3A_19, %get3A_20] : memref<1x128xf32, #tpu.memory_space<vmem>>, vector<1x128xf32>
    %add3A_22 = vector.broadcast %get3A_21 : vector<1x128xf32> to vector<2000x128xf32>
    %add3A_23 = arith.addf %mul3A_18, %add3A_22 : vector<2000x128xf32>
    %max3A_24 = arith.constant 0.000000e+00 : f32
    %max3A_25 = vector.broadcast %max3A_24 : f32 to vector<2000x128xf32>
    %max3A_26 = arith.maximumf %add3A_23, %max3A_25 : vector<2000x128xf32>
    %swap3A = arith.constant 0 : index
    %swap3A_27 = arith.constant 0 : index
    %swap3A_28 = arith.constant 0 : index
    %swap3A_29 = vector.load %arg7[%swap3A, %swap3A_27, %swap3A_28] : memref<1x2000x128xf32, #tpu.memory_space<vmem>>, vector<1x2000x128xf32>
    %swap3A_30 = vector.shape_cast %swap3A_29 : vector<1x2000x128xf32> to vector<2000x128xf32>
    %swap3A_31 = vector.shape_cast %max3A_26 : vector<2000x128xf32> to vector<1x2000x128xf32>
    tpu.vector_store %arg7[%swap3A, %swap3A_27, %swap3A_28], %swap3A_31 {strides = array<i32>} : memref<1x2000x128xf32, #tpu.memory_space<vmem>>, vector<1x2000x128xf32>,
    return
  }
  func.func @transform_0(%arg0: i32, %arg1: i32) -> (i32, i32, i32) {
    %c0_i32 = arith.constant 0 : i32
    %c0_i32_0 = arith.constant 0 : i32
    return %arg0, %arg1, %c0_i32 : i32, i32, i32
  }
  func.func @transform_1(%arg0: i32, %arg1: i32) -> (i32, i32, i32) {
    %c0_i32 = arith.constant 0 : i32
    %c0_i32_0 = arith.constant 0 : i32
    return %arg0, %arg1, %c0_i32 : i32, i32, i32
  }
  func.func @transform_2(%arg0: i32, %arg1: i32) -> (i32, i32) {
    %c0_i32 = arith.constant 0 : i32
    %c0_i32_0 = arith.constant 0 : i32
    return %arg1, %c0_i32 : i32, i32
  }
  func.func @transform_3(%arg0: i32, %arg1: i32) -> (i32, i32) {
    %c0_i32 = arith.constant 0 : i32
    %c0_i32_0 = arith.constant 0 : i32
    %c0_i32_1 = arith.constant 0 : i32
    return %c0_i32, %c0_i32_0 : i32, i32
  }
  func.func @transform_4(%arg0: i32, %arg1: i32) -> (i32, i32) {
    %c0_i32 = arith.constant 0 : i32
    %c0_i32_0 = arith.constant 0 : i32
    %c0_i32_1 = arith.constant 0 : i32
    return %c0_i32, %c0_i32_0 : i32, i32
  }
  func.func @transform_5(%arg0: i32, %arg1: i32) -> (i32, i32, i32) {
    %c0_i32 = arith.constant 0 : i32
    %c0_i32_0 = arith.constant 0 : i32
    return %arg0, %arg1, %c0_i32 : i32, i32, i32
  }
}

</mosaic_0001>

<sc_bundles>
// kernel: kernel.5.cloned.1.call-start
scs
__scs_entry_jumppad:
0x0: {  	(pc) =	sbr.rel $0x88, $3  }
0x1: {  	(tag) =	ssettag $0x0;
	lr =	simm.s32 $0x1  }
0x2: {  	[smem:$0x3F9B] =	sst lr;
	_ =	strace $0xD0000000  }
0x3: {  	_ = 	snop  }
0x4: {  	_ = 	snop  }
0x5: {  	_ = 	snop  }
0x6: {  	_ = 	snop  }
0x7: {  	_ = 	snop  }
__scs_overlays_trampoline_lowered:
0x8: {  	[smem:$0x3FAA] =	sst s0  }
0x9: {  	[smem:$0x3FAB] =	sst s1  }
0xa: {  	[smem:$0x3FAC] =	sst s2  }
0xb: {  	[smem:$0x3FAD] =	sst s3  }
0xc: {  	[smem:$0x3FAE] =	sst s4  }
0xd: {  	[smem:$0x3FAF] =	sst s5  }
0xe: {  	[smem:$0x3FB0] =	sst s6  }
0xf: {  	[smem:$0x3FB1] =	sst s7  }
0x10: {  	[smem:$0x3FB2] =	sst s8  }
0x11: {  	[smem:$0x3FB3] =	sst s9;
	s0 =	simm.s32 @!p0 $0x0  }
0x12: {  	s1 =	sld [smem:$0x3F99];
	s0 =	simm.s32 @p0 $0x1  }
0x13: {  	[smem:$0x3FB4] =	sst s0;
	s0 =	simm.s32 @!p1 $0x0  }
0x14: {  	s2 =	sld [smem:$0x3F98];
	s0 =	simm.s32 @p1 $0x1  }
0x15: {  	[smem:$0x3FB5] =	sst s0;
	s0 =	simm.s32 @!p2 $0x0  }
0x16: {  	s3 =	sld [smem:$0x3FDB];
	s0 =	simm.s32 @p2 $0x1  }
0x17: {  	s4 =	simm.s32 $0x1BF5;
	[smem:$0x3FB7] =	sst s0  }
0x18: {  	s0 =	sld [smem:$0x3F9A];
	_ =	swait.ge [sflag:s4], $0x0  }
0x19: {  	s7 =	sld [smem:$0x3F9B]  }
0x1a: {  	s8 =	sadd.s32 $0xFFFFE003, lr  }
0x1b: {  	s9 =	sadd.s32 $0xFFFFFEF7, lr;
	s5 =	simm.s32 $0xFFFFFFFF;
	p2 =	slt.u32 s8, $0xFFFFF086  }
0x1c: {  	p1 =	slt.u32 s9, $0xF7A;
	s5 =	simm.s32 @!p2 $0x0  }
0x1d: {  	s5 =	simm.s32 @p1 $0x1;
	p0 =	seq.s32 s7, s2  }
0x1e: {  	s7 =	smul.u32 @!p0 $0xF7A, s2;
	p2 =	seq.s32 @!p0 s5, $0x0  }
0x1f: {  	s9 =	smul.u32 $0xF7A, s1;
	s8 =	simm.s32 @!p0 $0x1BF5;
	p2 =	por !p2, p0  }
0x20: {  	[sflag:s8] =	ssyncset.s32 @!p0 $0xFFFFF086;
	s6 =	sadd.s32 @!p0 s3, s7;
	s7 =	simm.s32 @!p0 $0x108  }
0x21: {  	s3 =	sadd.s32 s3, s9;
	s6 =	sadd.s32 @!p0 $0x88, s6;
	s7 =	simm.s32 @p2 $0x1082  }
0x22: {  	[simem:s7], [sflag:s8] =	dma.local @!p0 [hbm:s6], $0xF7A  }
0x23: {  	s9 =	sor.u32 $0xD0000000, s2;
	s6 =	simm.s32 $0x108;
	_ =	swait.ge @!p0 [sflag:s8], $0x0  }
0x24: {  	s3 =	sadd.s32 $0x88, s3;
	s6 =	simm.s32 @!p1 $0x1082;
	[sflag:s4] =	ssyncset.s32 $0xFFFFF086  }
0x25: {  	[simem:s6], [sflag:s4] =	dma.local [hbm:s3], $0xF7A  }
0x26: {  	[smem:$0x3F9B] =	sst s1;
	(tag) =	ssettag s2;
	_ =	strace s9  }
0x27: {  	s1 =	sld [smem:$0x3FAB]  }
0x28: {  	s2 =	sld [smem:$0x3FAC]  }
0x29: {  	s4 =	sld [smem:$0x3FAE]  }
0x2a: {  	p0 =	seq.s32 s5, $0x0;
	s5 =	sld [smem:$0x3FAF]  }
0x2b: {  	s6 =	sld [smem:$0x3FB0]  }
0x2c: {  	s7 =	sld [smem:$0x3FB1]  }
0x2d: {  	s3 =	simm.s32 $0x108;
	s8 =	sld [smem:$0x3FB2]  }
0x2e: {  	s3 =	simm.s32 @!p0 $0x1082;
	s9 =	sld [smem:$0x3FB3]  }
0x2f: {  	lr =	sadd.s32 s0, s3;
	s0 =	sld [smem:$0x3FAA]  }
0x30: {  	s3 =	sld [smem:$0x3FAD]  }
0x31: {  	[smem:$0x3FB6] =	sst s10  }
0x32: {  	s10 =	sld [smem:$0x3FB4];
	_ =	sdelay $0x3  }
0x33: {  	p0 =	seq.s32 s10, $0x1;
	s10 =	sld [smem:$0x3FB6];
	_ =	sdelay $0x3  }
0x34: {  	[smem:$0x3FB6] =	sst s10  }
0x35: {  	s10 =	sld [smem:$0x3FB5];
	_ =	sdelay $0x3  }
0x36: {  	p1 =	seq.s32 s10, $0x1;
	s10 =	sld [smem:$0x3FB6];
	_ =	sdelay $0x3  }
0x37: {  	[smem:$0x3FB6] =	sst s10  }
0x38: {  	s10 =	sld [smem:$0x3FB7]  }
0x39: {  	_ = 	snop;
	(pc) =	sbr.ind lr, $3  }
0x3a: {  	_ = 	snop  }
0x3b: {  	_ = 	snop  }
0x3c: {  	p2 =	seq.s32 s10, $0x1;
	s10 =	sld [smem:$0x3FB6]  }
0x3d: {  	_ =	shalt  }
0x3e: {  	_ =	shalt  }
0x3f: {  	_ =	shalt  }
0x40: {  	_ =	shalt  }
0x41: {  	_ =	shalt  }
0x42: {  	_ =	shalt  }
0x43: {  	_ =	shalt  }
0x44: {  	_ =	shalt  }
0x45: {  	_ =	shalt  }
0x46: {  	_ =	shalt  }
0x47: {  	_ =	shalt  }
0x48: {  	_ =	shalt  }
0x49: {  	_ =	shalt  }
0x4a: {  	_ =	shalt  }
0x4b: {  	_ =	shalt  }
0x4c: {  	_ =	shalt  }
0x4d: {  	_ =	shalt  }
0x4e: {  	_ =	shalt  }
0x4f: {  	_ =	shalt  }
0x50: {  	_ =	shalt  }
0x51: {  	_ =	shalt  }
0x52: {  	_ =	shalt  }
0x53: {  	_ =	shalt  }
0x54: {  	_ =	shalt  }
0x55: {  	_ =	shalt  }
0x56: {  	_ =	shalt  }
0x57: {  	_ =	shalt  }
0x58: {  	_ =	shalt  }
0x59: {  	_ =	shalt  }
0x5a: {  	_ =	shalt  }
0x5b: {  	_ =	shalt  }
0x5c: {  	_ =	shalt  }
0x5d: {  	_ =	shalt  }
0x5e: {  	_ =	shalt  }
0x5f: {  	_ =	shalt  }
0x60: {  	_ =	shalt  }
0x61: {  	_ =	shalt  }
0x62: {  	_ =	shalt  }
0x63: {  	_ =	shalt  }
0x64: {  	_ =	shalt  }
0x65: {  	_ =	shalt  }
0x66: {  	_ =	shalt  }
0x67: {  	_ =	shalt  }
0x68: {  	_ =	shalt  }
0x69: {  	_ =	shalt  }
0x6a: {  	_ =	shalt  }
0x6b: {  	_ =	shalt  }
0x6c: {  	_ =	shalt  }
0x6d: {  	_ =	shalt  }
0x6e: {  	_ =	shalt  }
0x6f: {  	_ =	shalt  }
0x70: {  	_ =	shalt  }
0x71: {  	_ =	shalt  }
0x72: {  	_ =	shalt  }
0x73: {  	_ =	shalt  }
0x74: {  	_ =	shalt  }
0x75: {  	_ =	shalt  }
0x76: {  	_ =	shalt  }
0x77: {  	_ =	shalt  }
0x78: {  	_ =	shalt  }
0x79: {  	_ =	shalt  }
0x7a: {  	_ =	shalt  }
0x7b: {  	_ =	shalt  }
0x7c: {  	_ =	shalt  }
0x7d: {  	_ =	shalt  }
0x7e: {  	_ =	shalt  }
0x7f: {  	_ =	shalt  }
0x80: {  	_ =	shalt  }
0x81: {  	_ =	shalt  }
0x82: {  	_ =	shalt  }
0x83: {  	_ =	shalt  }
0x84: {  	_ =	shalt  }
0x85: {  	_ =	shalt  }
0x86: {  	_ =	shalt  }
0x87: {  	_ =	shalt  }
.Lfunc_end0:
.L_simem_size_0:
called_computation_lowered:
.L_overlay_start_0:
0x88: {  	s2 =	sld [smem:$0x3FD9]  }
0x89: {  	s3 =	sld [smem:$0x3FFE];
	_ =	sdelay $0x1  }
0x8a: {  	s1 =	srdreg.scid  }
0x8b: {  	s0 =	sand.u32 $0x1, s1  }
0x8c: {  	s17 =	sshll.u32 s0, $0xA;
	s2 =	sadd.s32 s3, s2  }
0x8d: {  	s2 =	sadd.s32 s2, s17  }
0x8e: {  	[smem:$0x3FC2] =	sst s2  }
0x8f: {  	_ = 	snop  }
0x90: {  	s2 =	sld [smem:$0x3FD0];
	(tm) =	ssettm $0x1  }
0x91: {  	s18 =	sld [smem:$0x3FFB];
	_ =	sdelay $0x3  }
0x92: {  	_ =	strace s18  }
0x93: {  	s3 =	sld [smem:$0x3FFC];
	_ =	sdelay $0x3  }
0x94: {  	_ =	strace s3  }
0x95: {  	s3 =	sld [smem:$0x3FFD];
	_ =	sdelay $0x3  }
0x96: {  	_ =	strace s3  }
0x97: {  	_ =	strace $0x8FFFFFFF  }
0x98: {  	s19 =	sld [smem:$0x3FDB];
	_ =	sdelay $0x1  }
0x99: {  	s4 =	simm.s32 $_scs_section_size  }
0x9a: {  	s5 =	simm.s32 $_size__tile_overlayer_lowered;
	s6 =	simm.s32 $_tile_overlayer_lowered  }
0x9b: {  	s22 =	simm.s32 $0x1BFF;
	s21 =	sshll.u32 s6, $0x1;
	s3 =	sadd.s32 s4, s19  }
0x9c: {  	s7 =	simm.s32 $0x0;
	s20 =	sshll.u32 s5, $0x1;
	s5 =	sadd.s32 s21, s3  }
0x9d: {  	[timem:s7], [sflag:s22] =	dma.local [hbm:s5], s20  }
0x9e: {  	_ =	swait.ge [sflag:s22], s20  }
0x9f: {  	s4 =	ssub.s32 $0x0, s20;
	[sflag:s22] =	ssyncset.done $0x0  }
0xa0: {  	[sflag:s22] =	ssyncadd.s32 s4;
	_ =	sdelay $0x1  }
0xa1: {  	s23 =	simm.s32 $0x1B8B  }
0xa2: {  	_ =	swait.ge [sflag:s23], $0x1  }
0xa3: {  	[sflag:s23] =	ssyncset.done $0x0  }
0xa4: {  	s25 =	simm.s32 $0x1B8E;
	s24 =	sld [smem:$0x3FFE];
	[sflag:s23] =	ssyncadd.s32 $0xFFFFFFFF  }
0xa5: {  	s26 =	simm.s32 $execute0_lowered;
	[smem:$0x3FD2] =	sst s25  }
0xa6: {  	s5 =	sshll.u32 s26, $0x1;
	_ =	strace $0x80000046;
	[dreg:$0x1] =	wrdreg $0xFFFFFFFF  }
0xa7: {  	s28 =	simm.s32 $_size_execute0_lowered;
	s3 =	sadd.s32 s3, s5;
	[dreg:$0x0] =	wrdreg $0x0  }
0xa8: {  	s5 =	sshll.u32 s28, $0x1;
	[dreg:$0x2] =	wrdreg s3  }
0xa9: {  	[dreg:$0x3] =	wrdreg s5  }
0xaa: {  	[dreg:$0x4] =	wrdreg $0xC0  }
0xab: {  	_ =	task [dreg:s7], $0x5FFFF  }
0xac: {  	[dreg:$0x1] =	wrdreg $0xFFFFFFFF  }
0xad: {  	[dreg:$0x0] =	wrdreg $0x60  }
0xae: {  	[dreg:$0x2] =	wrdreg s2  }
0xaf: {  	[dreg:$0x3] =	wrdreg s24  }
0xb0: {  	[dreg:$0x4] =	wrdreg $0x0  }
0xb1: {  	[dreg:$0x5] =	wrdreg $0x138800  }
0xb2: {  	[dreg:$0x6] =	wrdreg $0x9  }
0xb3: {  	_ =	task.clear_ibuf [dreg:s7], $0x7FFFF;
	_ =	strace $0x90000046  }
0xb4: {  	s29 =	simm.s32 $0x9;
	_ =	strace $0x80000048  }
0xb5: {  	_ =	swait.ge [sflag:s29], $0x1  }
0xb6: {  	[sflag:s29] =	ssyncadd.s32 $0xFFFFFFFF  }
0xb7: {  	_ =	strace $0x90000048  }
0xb8: {  	_ =	sfence  }
0xb9: {  	s30 =	sld [smem:$0x0];
	_ =	sdelay $0x2  }
0xba: {  	s31 =	sshll.u32 s1, $0xD;
	s1 =	sshrl.u32 s1, $0x2  }
0xbb: {  	s3 =	sand.u32 $0x4000, s31;
	s1 =	sadd.s32 s1, s30  }
0xbc: {  	s0 =	sor.u32 s3, s0;
	s1 =	sshll.u32 s1, $0x11  }
0xbd: {  	s0 =	sor.u32 s1, s0  }
0xbe: {  	s0 =	sadd.s32 $0x8F2B, s0  }
0xbf: {  	[sflag:s0] =	ssyncadd.remote.s32 $0x1  }
0xc0: {  	_ =	sfence.sel $0xFFFF  }
0xc1: {  	[dreg:$0x0] =	wrdreg $0xFFFFFFFF;
	(pc) =	sbr.abs _section_cstart, $3  }
0xc2: {  	[dreg:$0x1] =	wrdreg $0xFFFFFFFF  }
0xc3: {  	_ =	task.clear_ibuf [dreg:s7], $0x2FFFF;
	_ =	strace $0x9FFFFFFF  }
0xc4: {  	(tm) =	ssettm $0x7FFFFFFF  }
0xc5: {  	_ =	shalt  }
tec
execute0_lowered:
.L_overlay_start_1:
0x0: {  	(tag) =	ssettag $0x1  }
0x1: {  	s0 =	rddreg [dreg:$0x0]  }
0x2: {  	s1 =	rddreg [dreg:$0x1]  }
0x3: {  	s2 =	rddreg [dreg:$0x2]  }
0x4: {  	s3 =	srdreg.scid;
	s4 =	rddreg [dreg:$0x3]  }
0x5: {  	s5 =	simm.s32 $0x0;
	s19 =	stileid.u32;
	s28 =	simm.s32 $0x14C08  }
0x6: {  	s29 =	simm.s32 $0x80;
	s30 =	simm.s32 $0x14E08;
	s10 =	smul.u32 $0x1380, s19  }
0x7: {  	s31 =	simm.s32 $0x14D08;
	s3 =	sand.u32 $0x1, s3;
	s13 =	smul.u32 $0x4E000, s19  }
0x8: {  	[smem:$0x7FF] =	sst s5;
	s7 =	sadd.s32 $0x15400, s1;
	s15 =	smul.u32 $0x4E00, s19  }
0x9: {  	s9 =	sadd.s32 $0x15200, s1;
	s12 =	sadd.s32 $0x1A800, s1;
	s18 =	smul.u32 $0x2700, s19  }
0xa: {  	s20 =	sadd.s32 $0x12480, s4;
	p0 =	seq.s32 s19, $0xF;
	s6 =	smul.u32 $0x4E2, s3  }
0xb: {  	p4 =	sgt.u32 s19, $0x1;
	_ =	strace $0x80000047;
	s24 =	smul.u32 $0x138800, s3  }
0xc: {  	[dreg:$0x5] =	wrdreg s9;
	s11 =	ssub.s32 $0x2, s3;
	s26 =	smul.u32 $0x27100, s3  }
0xd: {  	[dreg:$0x7] =	wrdreg s20;
	p1 =	sne.s32 @p0 s3, $0x0;
	p2 =	sne.s32 @!p0 s3, $0x0  }
0xe: {  	p3 =	sne.s32 s3, $0x0;
	s21 =	sshrl.u32 s10, $0x3;
	s22 =	sshrl.u32 s11, $0x1  }
0xf: {  	s23 =	sshrl.u32 s13, $0x2;
	s25 =	sshrl.u32 s15, $0x2;
	p1 =	por p1, !p0  }
0x10: {  	p2 =	por p2, p0;
	s6 =	sadd.s32 s19, s6;
	s14 =	sadd.s32 s21, s1  }
0x11: {  	s16 =	ssub.s32 s11, s22;
	s9 =	sadd.s32 s23, s2;
	s13 =	sadd.s32 s25, s4  }
0x12: {  	s17 =	sshrl.u32 s24, $0x3;
	s11 =	sadd.s32 $0x124800, s2;
	s15 =	sadd.s32 s18, s26  }
0x13: {  	s6 =	sshll.u32 s6, $0x5;
	s17 =	sadd.s32 s12, s17;
	s23 =	sadd.s32 s12, s15  }
0x14: {  	s24 =	sadd.s32 $0x18000, s14;
	s25 =	smax.u32 s16, $0x1;
	[dreg:$0x6] =	wrdreg s11  }
0x15: {  	s14 =	simm.s32 $0x1;
	s15 =	simm.s32 $0x2;
	[dreg:$0xc] =	wrdreg s23  }
0x16: {  	s16 =	simm.s32 $0x0;
	s8 =	sadd.s32 s6, s1;
	[dreg:$0xd] =	wrdreg s24  }
0x17: {  	s6 =	sadd.s32 $0x15800, s1;
	s17 =	sadd.s32 $0x24900, s17;
	[dreg:$0xe] =	wrdreg s25  }
0x18: {  	s1 =	sadd.s32 $0x1A490, s1;
	s24 =	simm.s32 $0x14D88;
	[dreg:$0x9] =	wrdreg s17  }
0x19: {  	s21 =	sadd.s32 $0x1800, s8;
	[dreg:$0xa] =	wrdreg s1;
	s22 =	sadd.s32 $0xB400, s8  }
0x1a: {  	s1 =	sadd.s32 s10, s4;
	s26 =	sadd.s32 $0xB200, s8;
	[dreg:$0x8] =	wrdreg s21  }
.Ltmp0:
0x1b: {  	s20 =	sadd.s32 $0x1C00, s8;
	[dreg:$0xb] =	wrdreg s22;
	(pc) =	sbr.rel .LBB2_1-.Ltmp0, $4  }
0x1c: {  	[dreg:$0xf] =	wrdreg s26;
	s21 =	sadd.s32 $0x1A00, s8;
	s8 =	sshrl.u32 @p0 s11, $0x3  }
0x1d: {  	s10 =	simm.s32 $0x14C88;
	s1 =	sshrl.u32 @!p3 s1, $0x3;
	[dreg:$0x10] =	wrdreg s8  }
0x1e: {  	s26 =	simm.s32 $0x3;
	s8 =	sshrl.u32 @!p2 s13, $0x3;
	[dreg:$0x12] =	wrdreg s1  }
0x1f: {  	s1 =	simm.s32 $0x4;
	s13 =	simm.s32 $0x18E08;
	[dreg:$0x11] =	wrdreg s8  }
.LBB2_7:
0x20: {  	s3 =	rddreg [dreg:$0x6]  }
0x21: {  	s8 =	rddreg [dreg:$0x9];
	s11 =	simm.s32 $0x1FC3;
	s3 =	sshrl.u32 s3, $0x3  }
0x22: {  	[hbm:s8], [sflag:s11] =	dma.local [spmem:s3], $0x2800  }
0x23: {  	_ =	swait.ge [sflag:s26], $0x2800  }
0x24: {  	[sflag:s26] =	ssyncset.done $0x0;
	s3 =	rddreg [dreg:$0x7]  }
0x25: {  	s8 =	rddreg [dreg:$0xa];
	[sflag:s26] =	ssyncadd.s32 $0xFFFFD800;
	s3 =	sshrl.u32 @!p3 s3, $0x3  }
0x26: {  	[hbm:s8], [sflag:s11] =	dma.local @!p3 [spmem:s3], $0x280  }
0x27: {  	s3 =	simm.s32 @!p3 $0x3  }
0x28: {  	_ =	swait.ge @!p3 [sflag:s3], $0x280  }
0x29: {  	[sflag:s3] =	ssyncset.done @!p3 $0x0  }
0x2a: {  	[sflag:s3] =	ssyncadd.s32 @!p3 $0xFFFFFD80  }
.LBB2_8:
0x2b: {  	s16 =	sadd.s32 $0x1, s16;
	s3 =	rddreg [dreg:$0xe]  }
0x2c: {  	p5 =	sne.s32 s16, s3  }
.Ltmp1:
0x2d: {  	_ = 	snop;
	(pc) =	sbr.rel @!p5 .LBB2_9-.Ltmp1, $1  }
0x2e: {  	_ =	sdelay $0x3  }
.LBB2_1:
0x2f: {  	s3 =	simm.s32 @p0 $0x1FC3;
	s8 =	rddreg [dreg:$0x10]  }
0x30: {  	[spmem:s8], [sflag:s3] =	dma.local @p0 [hbm:s6], $0x2800  }
0x31: {  	s8 =	simm.s32 @p0 $0x3  }
0x32: {  	_ =	swait.ge @p0 [sflag:s8], $0x2800  }
0x33: {  	[sflag:s8] =	ssyncset.done @p0 $0x0  }
0x34: {  	[sflag:s8] =	ssyncadd.s32 @p0 $0xFFFFD800;
	s8 =	rddreg [dreg:$0x7]  }
0x35: {  	s8 =	sshrl.u32 @!p1 s8, $0x3  }
0x36: {  	[spmem:s8], [sflag:s3] =	dma.local @!p1 [hbm:s7], $0x280  }
0x37: {  	s3 =	simm.s32 @!p1 $0x3  }
0x38: {  	s8 =	stileid.u32;
	_ =	swait.ge @!p1 [sflag:s3], $0x280  }
0x39: {  	s8 =	sshll.u32 @!p0 s8, $0x6;
	[sflag:s3] =	ssyncset.done @!p1 $0x0  }
0x3a: {  	[sflag:s3] =	ssyncadd.s32 @!p1 $0xFFFFFD80;
	s3 =	sor.u32 @!p0 $0x1C03, s8;
	s8 =	sshrl.u32 @!p0 s9, $0x3  }
0x3b: {  	[spmem:s8], [sflag:s3] =	dma.local @!p0 [hbm:s6], $0x2700  }
0x3c: {  	s8 =	simm.s32 @!p0 $0x3  }
0x3d: {  	_ =	swait.ge @!p0 [sflag:s8], $0x2700  }
0x3e: {  	[sflag:s8] =	ssyncset.done @!p0 $0x0  }
0x3f: {  	[sflag:s8] =	ssyncadd.s32 @!p0 $0xFFFFD900;
	s8 =	rddreg [dreg:$0x11]  }
0x40: {  	[spmem:s8], [sflag:s3] =	dma.local @!p2 [hbm:s7], $0x270  }
0x41: {  	s3 =	simm.s32 @!p2 $0x3  }
0x42: {  	_ =	swait.ge @!p2 [sflag:s3], $0x270  }
0x43: {  	[sflag:s3] =	ssyncset.done @!p2 $0x0  }
0x44: {  	s18 =	simm.s32 $0x1CE08;
	s17 =	rddreg [dreg:$0x5];
	[sflag:s3] =	ssyncadd.s32 @!p2 $0xFFFFFD90  }
0x45: {  	[tilespmem:s18], [sflag:$0x3] =	stream.linear.gather [hbm4b:s17+s5], $0x400, $0x38;
	[tilespmem:$0x1D208] =	vst v63  }
0x46: {  	_ =	swait.ge [sflag:s26], $0x400  }
0x47: {  	[sflag:s26] =	ssyncset.done $0x0  }
0x48: {  	[sflag:s26] =	ssyncadd.s32 $0xFFFFFC00  }
0x49: {  	[bflag:$0x0] =	sbarrier.arrive $0xFFFF  }
0x4a: {  	s19 =	rddreg [dreg:$0x8]  }
0x4b: {  	[tilespmem:s28], [sflag:$0x3] =	stream.linear.gather [hbm4b:s19+s5], $0x100, $0x38;
	[tilespmem:$0x1D208] =	vst v63  }
0x4c: {  	_ =	swait.ge [sflag:s26], $0x100  }
0x4d: {  	[sflag:s26] =	ssyncset.done $0x0  }
0x4e: {  	[sflag:s26] =	ssyncadd.s32 $0xFFFFFF00  }
0x4f: {  	[tilespmem:s30], [sflag:$0x1] =	stream.indirect.gather [hbm4b:s0+s29], $0x80, s28, s29, $0xb8;
	[tilespmem:$0x1D208] =	vst v63  }
0x50: {  	s22 =	sadd.s32 $0x0, s21  }
0x51: {  	[tilespmem:s31], [sflag:$0x4] =	stream.linear.gather [hbm4b:s22+s5], $0x100, $0x38;
	[tilespmem:$0x1D208] =	vst v63  }
0x52: {  	_ =	swait.ge [sflag:s1], $0x100  }
0x53: {  	[sflag:s1] =	ssyncset.done $0x0  }
0x54: {  	[sflag:s1] =	ssyncadd.s32 $0xFFFFFF00  }
0x55: {  	[tilespmem:s13], [sflag:$0x2] =	stream.indirect.gather [hbm4b:s0+s29], $0x80, s31, s29, $0xb8;
	[tilespmem:$0x1D208] =	vst v63  }
0x56: {  	_ =	swait.ge [sflag:s14], $0x4000  }
0x57: {  	[sflag:s14] =	ssyncset.done $0x0  }
0x58: {  	[sflag:s14] =	ssyncadd.s32 $0xFFFFC000  }
0x59: {  	[spmem:s2] =	stream.indirect.scatter.add.f32 [tilespmem:s30], [sflag:$0x4], $0x80, s10, s29, $0xb8;
	[tilespmem:$0x1D208] =	vst v63  }
0x5a: {  	_ =	swait.ge [sflag:s1], $0x4000  }
0x5b: {  	s25 =	simm.s32 @!p3 $0x4;
	s12 =	simm.s32 @!p3 $0x14C08;
	[sflag:s1] =	ssyncset.done $0x0  }
0x5c: {  	s3 =	simm.s32 @!p3 $0x80;
	s17 =	simm.s32 @!p3 $0x1CE08;
	[sflag:s1] =	ssyncadd.s32 $0xFFFFC000  }
0x5d: {  	[spmem:s4] =	stream.indirect.scatter.add.f32 @!p3 [tilespmem:s17], [sflag:$0x4], $0x8, s12, s3, $0xb8;
	[tilespmem:$0x1D208] =	vst v63  }
0x5e: {  	_ =	swait.ge @!p3 [sflag:s25], $0x400  }
0x5f: {  	[sflag:s25] =	ssyncset.done @!p3 $0x0  }
0x60: {  	s23 =	sadd.s32 $0x0, s20;
	[sflag:s25] =	ssyncadd.s32 @!p3 $0xFFFFFC00  }
0x61: {  	[tilespmem:s28], [sflag:$0x4] =	stream.linear.gather [hbm4b:s23+s5], $0x100, $0x38;
	[tilespmem:$0x1D208] =	vst v63  }
0x62: {  	_ =	swait.ge [sflag:s1], $0x100  }
0x63: {  	[sflag:s1] =	ssyncset.done $0x0  }
0x64: {  	[sflag:s1] =	ssyncadd.s32 $0xFFFFFF00  }
0x65: {  	[tilespmem:s30], [sflag:$0x1] =	stream.indirect.gather [hbm4b:s0+s29], $0x80, s28, s29, $0xb8;
	[tilespmem:$0x1D208] =	vst v63  }
0x66: {  	_ =	swait.ge [sflag:s15], $0x4000  }
0x67: {  	[sflag:s15] =	ssyncset.done $0x0  }
0x68: {  	[sflag:s15] =	ssyncadd.s32 $0xFFFFC000  }
0x69: {  	[spmem:s2] =	stream.indirect.scatter.add.f32 [tilespmem:s13], [sflag:$0x4], $0x80, s24, s29, $0xb8;
	[tilespmem:$0x1D208] =	vst v63  }
0x6a: {  	_ =	swait.ge [sflag:s1], $0x4000  }
0x6b: {  	[sflag:s1] =	ssyncset.done $0x0  }
0x6c: {  	s18 =	simm.s32 @!p3 $0x3;
	s19 =	simm.s32 @!p3 $0x14D08;
	[sflag:s1] =	ssyncadd.s32 $0xFFFFC000  }
0x6d: {  	[spmem:s4] =	stream.indirect.scatter.add.f32 @!p3 [tilespmem:s17], [sflag:$0x3], $0x8, s19, s3, $0xb8;
	[tilespmem:$0x1D208] =	vst v63  }
0x6e: {  	_ =	swait.ge @!p3 [sflag:s18], $0x400  }
0x6f: {  	s8 =	simm.s32 $0x400;
	s22 =	simm.s32 $0x800;
	[sflag:s18] =	ssyncset.done @!p3 $0x0  }
.LBB2_2:
0x70: {  	s23 =	sadd.s32 s8, s21  }
0x71: {  	[sflag:s18] =	ssyncadd.s32 @!p3 $0xFFFFFC00;
	s11 =	smov.u32 s22;
	s22 =	sadd.s32 $0x400, s22  }
0x72: {  	[tilespmem:s31], [sflag:$0x4] =	stream.linear.gather [hbm4b:s23+s5], $0x100, $0x38;
	[tilespmem:$0x1D208] =	vst v63  }
0x73: {  	p5 =	sne.s32 s22, $0x9800;
	_ =	swait.ge [sflag:s1], $0x100  }
0x74: {  	[sflag:s1] =	ssyncset.done $0x0  }
0x75: {  	[sflag:s1] =	ssyncadd.s32 $0xFFFFFF00  }
0x76: {  	[tilespmem:s13], [sflag:$0x2] =	stream.indirect.gather [hbm4b:s0+s29], $0x80, s31, s29, $0xb8;
	[tilespmem:$0x1D208] =	vst v63  }
0x77: {  	_ =	swait.ge [sflag:s14], $0x4000  }
0x78: {  	[sflag:s14] =	ssyncset.done $0x0  }
0x79: {  	[sflag:s14] =	ssyncadd.s32 $0xFFFFC000  }
0x7a: {  	[spmem:s2] =	stream.indirect.scatter.add.f32 [tilespmem:s30], [sflag:$0x4], $0x80, s10, s29, $0xb8;
	[tilespmem:$0x1D208] =	vst v63  }
0x7b: {  	_ =	swait.ge [sflag:s1], $0x4000  }
0x7c: {  	[sflag:s1] =	ssyncset.done $0x0  }
0x7d: {  	[sflag:s1] =	ssyncadd.s32 $0xFFFFC000  }
0x7e: {  	[spmem:s4] =	stream.indirect.scatter.add.f32 @!p3 [tilespmem:s17], [sflag:$0x4], $0x8, s12, s3, $0xb8;
	[tilespmem:$0x1D208] =	vst v63  }
0x7f: {  	_ =	swait.ge @!p3 [sflag:s25], $0x400  }
0x80: {  	[sflag:s25] =	ssyncset.done @!p3 $0x0  }
0x81: {  	s23 =	sadd.s32 s8, s20;
	s8 =	smov.u32 s11;
	[sflag:s25] =	ssyncadd.s32 @!p3 $0xFFFFFC00  }
0x82: {  	[tilespmem:s28], [sflag:$0x4] =	stream.linear.gather [hbm4b:s23+s5], $0x100, $0x38;
	[tilespmem:$0x1D208] =	vst v63  }
0x83: {  	_ =	swait.ge [sflag:s1], $0x100  }
0x84: {  	[sflag:s1] =	ssyncset.done $0x0  }
0x85: {  	[sflag:s1] =	ssyncadd.s32 $0xFFFFFF00  }
0x86: {  	[tilespmem:s30], [sflag:$0x1] =	stream.indirect.gather [hbm4b:s0+s29], $0x80, s28, s29, $0xb8;
	[tilespmem:$0x1D208] =	vst v63  }
0x87: {  	_ =	swait.ge [sflag:s15], $0x4000  }
0x88: {  	[sflag:s15] =	ssyncset.done $0x0  }
0x89: {  	[sflag:s15] =	ssyncadd.s32 $0xFFFFC000  }
0x8a: {  	[spmem:s2] =	stream.indirect.scatter.add.f32 [tilespmem:s13], [sflag:$0x4], $0x80, s24, s29, $0xb8;
	[tilespmem:$0x1D208] =	vst v63  }
0x8b: {  	_ =	swait.ge [sflag:s1], $0x4000  }
.Ltmp2:
0x8c: {  	[sflag:s1] =	ssyncset.done $0x0;
	(pc) =	sbr.rel @p5 .LBB2_2-.Ltmp2, $4  }
0x8d: {  	[sflag:s1] =	ssyncadd.s32 $0xFFFFC000  }
0x8e: {  	[spmem:s4] =	stream.indirect.scatter.add.f32 @!p3 [tilespmem:s17], [sflag:$0x3], $0x8, s19, s3, $0xb8;
	[tilespmem:$0x1D208] =	vst v63  }
0x8f: {  	_ =	swait.ge @!p3 [sflag:s18], $0x400  }
0x90: {  	[sflag:s18] =	ssyncset.done @!p3 $0x0  }
0x91: {  	s3 =	sadd.s32 s8, s21;
	[sflag:s18] =	ssyncadd.s32 @!p3 $0xFFFFFC00  }
0x92: {  	[tilespmem:s31], [sflag:$0x4] =	stream.linear.gather [hbm4b:s3+s5], $0x100, $0x38;
	[tilespmem:$0x1D208] =	vst v63  }
0x93: {  	_ =	swait.ge [sflag:s1], $0x100  }
0x94: {  	[sflag:s1] =	ssyncset.done $0x0  }
0x95: {  	[sflag:s1] =	ssyncadd.s32 $0xFFFFFF00  }
0x96: {  	[tilespmem:s13], [sflag:$0x2] =	stream.indirect.gather [hbm4b:s0+s29], $0x80, s31, s29, $0xb8;
	[tilespmem:$0x1D208] =	vst v63  }
0x97: {  	_ =	swait.ge [sflag:s14], $0x4000  }
0x98: {  	[sflag:s14] =	ssyncset.done $0x0  }
0x99: {  	[sflag:s14] =	ssyncadd.s32 $0xFFFFC000  }
0x9a: {  	[spmem:s2] =	stream.indirect.scatter.add.f32 [tilespmem:s30], [sflag:$0x4], $0x80, s10, s29, $0xb8;
	[tilespmem:$0x1D208] =	vst v63  }
0x9b: {  	_ =	swait.ge [sflag:s1], $0x4000  }
0x9c: {  	s18 =	simm.s32 @!p3 $0x4;
	s12 =	simm.s32 @!p3 $0x80;
	[sflag:s1] =	ssyncset.done $0x0  }
0x9d: {  	s17 =	simm.s32 @!p3 $0x14C08;
	s3 =	simm.s32 @!p3 $0x1CE08;
	[sflag:s1] =	ssyncadd.s32 $0xFFFFC000  }
0x9e: {  	[spmem:s4] =	stream.indirect.scatter.add.f32 @!p3 [tilespmem:s3], [sflag:$0x4], $0x8, s17, s12, $0xb8;
	[tilespmem:$0x1D208] =	vst v63  }
0x9f: {  	_ =	swait.ge @!p3 [sflag:s18], $0x400  }
0xa0: {  	[sflag:s18] =	ssyncset.done @!p3 $0x0  }
0xa1: {  	s25 =	sadd.s32 s8, s20;
	[sflag:s18] =	ssyncadd.s32 @!p3 $0xFFFFFC00  }
0xa2: {  	[tilespmem:s28], [sflag:$0x4] =	stream.linear.gather [hbm4b:s25+s5], $0x100, $0x38;
	[tilespmem:$0x1D208] =	vst v63  }
0xa3: {  	_ =	swait.ge [sflag:s1], $0x100  }
0xa4: {  	[sflag:s1] =	ssyncset.done $0x0  }
0xa5: {  	[sflag:s1] =	ssyncadd.s32 $0xFFFFFF00  }
0xa6: {  	[tilespmem:s30], [sflag:$0x1] =	stream.indirect.gather [hbm4b:s0+s29], $0x80, s28, s29, $0xb8;
	[tilespmem:$0x1D208] =	vst v63  }
0xa7: {  	_ =	swait.ge [sflag:s15], $0x4000  }
0xa8: {  	[sflag:s15] =	ssyncset.done $0x0  }
0xa9: {  	[sflag:s15] =	ssyncadd.s32 $0xFFFFC000  }
0xaa: {  	[spmem:s2] =	stream.indirect.scatter.add.f32 [tilespmem:s13], [sflag:$0x4], $0x80, s24, s29, $0xb8;
	[tilespmem:$0x1D208] =	vst v63  }
0xab: {  	_ =	swait.ge [sflag:s1], $0x4000  }
0xac: {  	[sflag:s1] =	ssyncset.done $0x0  }
0xad: {  	s11 =	simm.s32 @!p3 $0x14D08;
	s8 =	simm.s32 @!p3 $0x3;
	[sflag:s1] =	ssyncadd.s32 $0xFFFFC000  }
0xae: {  	[spmem:s4] =	stream.indirect.scatter.add.f32 @!p3 [tilespmem:s3], [sflag:$0x3], $0x8, s11, s12, $0xb8;
	[tilespmem:$0x1D208] =	vst v63  }
0xaf: {  	_ =	swait.ge @!p3 [sflag:s8], $0x400  }
0xb0: {  	[sflag:s8] =	ssyncset.done @!p3 $0x0  }
0xb1: {  	s19 =	rddreg [dreg:$0xf];
	[sflag:s8] =	ssyncadd.s32 @!p3 $0xFFFFFC00  }
0xb2: {  	[tilespmem:s31], [sflag:$0x4] =	stream.linear.gather [hbm4b:s19+s5], $0x100, $0x38;
	[tilespmem:$0x1D208] =	vst v63  }
0xb3: {  	_ =	swait.ge [sflag:s1], $0x100  }
0xb4: {  	[sflag:s1] =	ssyncset.done $0x0  }
0xb5: {  	[sflag:s1] =	ssyncadd.s32 $0xFFFFFF00  }
0xb6: {  	[tilespmem:s13], [sflag:$0x2] =	stream.indirect.gather [hbm4b:s0+s29], $0x80, s31, s29, $0xb8;
	[tilespmem:$0x1D208] =	vst v63  }
0xb7: {  	_ =	swait.ge [sflag:s14], $0x4000  }
0xb8: {  	[sflag:s14] =	ssyncset.done $0x0  }
0xb9: {  	[sflag:s14] =	ssyncadd.s32 $0xFFFFC000  }
0xba: {  	[spmem:s2] =	stream.indirect.scatter.add.f32 [tilespmem:s30], [sflag:$0x4], $0x80, s10, s29, $0xb8;
	[tilespmem:$0x1D208] =	vst v63  }
0xbb: {  	_ =	swait.ge [sflag:s1], $0x4000  }
0xbc: {  	[sflag:s1] =	ssyncset.done $0x0  }
0xbd: {  	s19 =	simm.s32 @p3 $0x2;
	[sflag:s1] =	ssyncadd.s32 $0xFFFFC000  }
0xbe: {  	_ =	swait.ge @p3 [sflag:s19], $0x4000  }
0xbf: {  	s22 =	simm.s32 @p3 $0x14D88;
	[sflag:s19] =	ssyncset.done @p3 $0x0  }
0xc0: {  	s23 =	simm.s32 @p3 $0x18E08;
	[sflag:s19] =	ssyncadd.s32 @p3 $0xFFFFC000;
	s19 =	simm.s32 @p3 $0x80  }
0xc1: {  	[spmem:s2] =	stream.indirect.scatter.add.f32 @p3 [tilespmem:s23], [sflag:$0x4], $0x80, s22, s19, $0xb8;
	[tilespmem:$0x1D208] =	vst v63  }
0xc2: {  	s19 =	simm.s32 @p3 $0x4  }
0xc3: {  	_ =	swait.ge @p3 [sflag:s19], $0x4000  }
0xc4: {  	[sflag:s19] =	ssyncset.done @p3 $0x0  }
0xc5: {  	[sflag:s19] =	ssyncadd.s32 @p3 $0xFFFFC000  }
0xc6: {  	[spmem:s4] =	stream.indirect.scatter.add.f32 @!p3 [tilespmem:s3], [sflag:$0x4], $0x8, s17, s12, $0xb8;
	[tilespmem:$0x1D208] =	vst v63  }
0xc7: {  	_ =	swait.ge @!p3 [sflag:s18], $0x400  }
0xc8: {  	[sflag:s18] =	ssyncset.done @!p3 $0x0  }
0xc9: {  	s19 =	simm.s32 @!p3 $0x2;
	[sflag:s18] =	ssyncadd.s32 @!p3 $0xFFFFFC00  }
0xca: {  	_ =	swait.ge @!p3 [sflag:s19], $0x4000  }
0xcb: {  	[sflag:s19] =	ssyncset.done @!p3 $0x0  }
0xcc: {  	s22 =	simm.s32 @!p3 $0x18E08;
	[sflag:s19] =	ssyncadd.s32 @!p3 $0xFFFFC000;
	s19 =	simm.s32 @!p3 $0x14D88  }
0xcd: {  	[spmem:s2] =	stream.indirect.scatter.add.f32 @!p3 [tilespmem:s22], [sflag:$0x4], $0x80, s19, s12, $0xb8;
	[tilespmem:$0x1D208] =	vst v63  }
0xce: {  	_ =	swait.ge @!p3 [sflag:s18], $0x4000  }
0xcf: {  	[sflag:s18] =	ssyncset.done @!p3 $0x0  }
.Ltmp3:
0xd0: {  	[sflag:s18] =	ssyncadd.s32 @!p3 $0xFFFFC000;
	(pc) =	sbr.rel @p4 .LBB2_5-.Ltmp3, $4  }
0xd1: {  	[spmem:s4] =	stream.indirect.scatter.add.f32 @!p3 [tilespmem:s3], [sflag:$0x3], $0x8, s11, s12, $0xb8;
	[tilespmem:$0x1D208] =	vst v63  }
0xd2: {  	_ =	swait.ge @!p3 [sflag:s8], $0x400  }
0xd3: {  	[sflag:s8] =	ssyncset.done @!p3 $0x0  }
0xd4: {  	[sflag:s8] =	ssyncadd.s32 @!p3 $0xFFFFFC00  }
0xd5: {  	s11 =	rddreg [dreg:$0xb]  }
0xd6: {  	[tilespmem:s28], [sflag:$0x3] =	stream.linear.gather [hbm4b:s11+s5], $0x100, $0x38;
	[tilespmem:$0x1D208] =	vst v63  }
0xd7: {  	_ =	swait.ge [sflag:s26], $0x100  }
0xd8: {  	[sflag:s26] =	ssyncset.done $0x0  }
0xd9: {  	[sflag:s26] =	ssyncadd.s32 $0xFFFFFF00  }
0xda: {  	[tilespmem:s30], [sflag:$0x1] =	stream.indirect.gather [hbm4b:s0+s29], $0x80, s28, s29, $0xb8;
	[tilespmem:$0x1D208] =	vst v63  }
0xdb: {  	_ =	swait.ge [sflag:s14], $0x4000  }
0xdc: {  	[sflag:s14] =	ssyncset.done $0x0  }
0xdd: {  	[sflag:s14] =	ssyncadd.s32 $0xFFFFC000  }
0xde: {  	[spmem:s2] =	stream.indirect.scatter.add.f32 [tilespmem:s30], [sflag:$0x3], $0x80, s10, s29, $0xb8;
	[tilespmem:$0x1D208] =	vst v63  }
0xdf: {  	_ =	swait.ge [sflag:s26], $0x4000  }
0xe0: {  	[sflag:s26] =	ssyncset.done $0x0  }
0xe1: {  	[sflag:s26] =	ssyncadd.s32 $0xFFFFC000  }
0xe2: {  	[spmem:s4] =	stream.indirect.scatter.add.f32 @!p3 [tilespmem:s3], [sflag:$0x3], $0x8, s17, s12, $0xb8;
	[tilespmem:$0x1D208] =	vst v63  }
.Ltmp4:
0xe3: {  	_ =	swait.ge @!p3 [sflag:s8], $0x400;
	(pc) =	sbr.rel .LBB2_6-.Ltmp4, $3  }
0xe4: {  	[sflag:s8] =	ssyncset.done @!p3 $0x0  }
0xe5: {  	[sflag:s8] =	ssyncadd.s32 @!p3 $0xFFFFFC00  }
0xe6: {  	[bflag:$0x0] =	sbarrier.arrive $0xFFFF;
	_ =	sdelay $0x1  }
.LBB2_5:
.Ltmp5:
0xe7: {  	(pc) =	sbr.rel @p0 .LBB2_7-.Ltmp5, $2  }
0xe8: {  	_ =	sdelay $0x1  }
0xe9: {  	[bflag:$0x0] =	sbarrier.arrive $0xFFFF;
	_ =	sdelay $0x1  }
.LBB2_6:
0xea: {  	s3 =	stileid.u32  }
0xeb: {  	s3 =	sshll.u32 s3, $0x6  }
0xec: {  	s8 =	sshrl.u32 s9, $0x3;
	s11 =	rddreg [dreg:$0xc];
	s3 =	sor.u32 $0x1C03, s3  }
0xed: {  	[hbm:s11], [sflag:s3] =	dma.local [spmem:s8], $0x2700  }
0xee: {  	_ =	swait.ge [sflag:s26], $0x2700  }
0xef: {  	[sflag:s26] =	ssyncset.done $0x0;
	s8 =	rddreg [dreg:$0xd]  }
0xf0: {  	s11 =	rddreg [dreg:$0x12];
	[sflag:s26] =	ssyncadd.s32 $0xFFFFD900  }
0xf1: {  	[hbm:s8], [sflag:s3] =	dma.local @!p3 [spmem:s11], $0x270  }
.Ltmp6:
0xf2: {  	_ = 	snop;
	(pc) =	sbr.rel .LBB2_8-.Ltmp6, $4  }
0xf3: {  	s3 =	simm.s32 @!p3 $0x3  }
0xf4: {  	_ =	swait.ge @!p3 [sflag:s3], $0x270  }
0xf5: {  	[sflag:s3] =	ssyncset.done @!p3 $0x0  }
0xf6: {  	[sflag:s3] =	ssyncadd.s32 @!p3 $0xFFFFFD90  }
.LBB2_9:
0xf7: {  	_ =	sfence.sel $0x180000  }
0xf8: {  	[bflag:$0x0] =	sbarrier.arrive $0xFFFF  }
0xf9: {  	_ =	strace $0x90000047  }
0xfa: {  	s0 =	stileid.u32;
	[bflag:$0x2] =	sbarrier.arrive $0xFFFF  }
0xfb: {  	p0 =	sne.s32 s0, $0x0;
	s0 =	rddreg [dreg:$0x4]  }
0xfc: {  	s0 =	sadd.s32 @!p0 $0x100000, s0  }
0xfd: {  	[sflag:s0] =	ssyncadd.tile.s32 @!p0 $0x1;
	_ =	shalt  }
.Lfunc_end2:
_tile_overlayer_lowered:
.L_overlay_start_2:
0xfe: {  	(tag) =	ssettag $0x2  }
0xff: {  	s0 =	rddreg [dreg:$0x0];
	s2 =	stileid.u32  }
0x100: {  	s1 =	rddreg [dreg:$0x1];
	p0 =	sne.s32 s2, $0x0  }
0x101: {  	s3 =	rddreg [dreg:$0x2];
	[bflag:$0x3] =	sbarrier.arrive $0xFFFF;
	s2 =	simm.s32 @!p0 $0x1C03  }
0x102: {  	[timem:s3], [sflag:s2] =	dma.local @!p0 [hbm:s0], s1  }
0x103: {  	s0 =	simm.s32 @!p0 $0x3  }
0x104: {  	_ =	swait.ge @!p0 [sflag:s0], s1  }
0x105: {  	s1 =	ssub.s32 @!p0 $0x0, s1;
	[sflag:s0] =	ssyncset.done @!p0 $0x0  }
0x106: {  	[sflag:s0] =	ssyncadd.s32 @!p0 s1  }
0x107: {  	[bflag:$0x3] =	sbarrier.arrive $0xFFFF  }
0x108: {  	_ =	shalt  }

</sc_bundles>
